<compile_context>
chip_gen: v7x
topology: tpu7x:2x2x1
jax: 0.10.2.dev20260603
libtpu: 0.0.44.dev20260713+nightly
codegen_flags: <defaults>
</compile_context>

<pallas_src>
import functools

import jax
import jax.numpy as jnp
from jax import lax
from jax.experimental import pallas as pl
from jax.experimental.pallas import tpu as pltpu
from jax.experimental.pallas import tpu_sc as plsc

VOCAB = 1000000
EMBED = 32
HIDDEN = 256
SEQ = 1000
BATCH = 1024

SEQ_PAD = 1024
NC, NS = 2, 16
NW = NC * NS
ROWS_PER_W = BATCH // NW
G = 128
NSPLIT = 2
B_CHUNK = BATCH // NSPLIT
NG = (B_CHUNK // NW) * SEQ_PAD // G
NBUF = 2

K = EMBED * SEQ
K_PAD = EMBED * SEQ_PAD
K_BLK = 1024
NK = K_PAD // K_BLK


def _sc_gather(idx3, table):
    mesh = plsc.VectorSubcoreMesh(
        core_axis_name="c", subcore_axis_name="s",
        num_cores=NC, num_subcores=NS)

    @functools.partial(
        pl.kernel,
        out_type=jax.ShapeDtypeStruct((NW * NG * G, EMBED), jnp.float32),
        mesh=mesh,
        scratch_types=[
            pltpu.VMEM((NG, G), jnp.int32),
            pltpu.VMEM((NBUF, G, EMBED), jnp.float32),
            pltpu.SemaphoreType.DMA((NBUF,)),
        ],
        compiler_params=pltpu.CompilerParams(use_tc_tiling_on_sc=False),
    )
    def gather_kernel(idx_hbm, table_hbm, out_hbm, idx_v, rows_v, gsems):
        wid = lax.axis_index("s") * NC + lax.axis_index("c")
        pltpu.sync_copy(idx_hbm.at[wid], idx_v)
        base = wid * NG

        def start(i, slot):
            return pltpu.async_copy(
                table_hbm.at[idx_v.at[i]], rows_v.at[slot], gsems.at[slot])

        start(0, 0)

        def body(i, _):
            slot = lax.rem(i, NBUF)
            nxt = lax.rem(i + 1, NBUF)

            @pl.when(i + 1 < NG)
            def _():
                start(i + 1, nxt)

            pltpu.make_async_copy(
                table_hbm.at[idx_v.at[i]], rows_v.at[slot], gsems.at[slot]
            ).wait()
            pltpu.sync_copy(rows_v.at[slot],
                            out_hbm.at[pl.ds((base + i) * G, G)])
            return 0

        lax.fori_loop(0, NG, body, 0, unroll=False)

    return gather_kernel(idx3, table)


def _w1_perm_body(w_ref, out_ref):
    w = w_ref[...]
    y = jnp.transpose(w, (0, 2, 1)).reshape(32, K).astype(jnp.bfloat16)
    out_ref[...] = jnp.concatenate(
        [y, jnp.zeros((32, K_PAD - K), jnp.bfloat16)], axis=1)


def _w1_permute(W1):
    w13 = W1.reshape(HIDDEN, EMBED, SEQ)
    return pl.pallas_call(
        _w1_perm_body,
        grid=(HIDDEN // 32,),
        in_specs=[pl.BlockSpec((32, EMBED, SEQ), lambda k: (k, 0, 0))],
        out_specs=pl.BlockSpec((32, K_PAD), lambda k: (k, 0)),
        out_shape=jax.ShapeDtypeStruct((HIDDEN, K_PAD), jnp.bfloat16),
    )(w13)


def _mlp_body(emb_ref, w1_ref, b1_ref, w2_ref, b2_ref, out_ref, acc_ref):
    k = pl.program_id(0)
    x = emb_ref[...].reshape(B_CHUNK, K_BLK).astype(jnp.bfloat16)
    part = lax.dot_general(
        x, w1_ref[...], (((1,), (1,)), ((), ())),
        preferred_element_type=jnp.float32)

    @pl.when(k == 0)
    def _():
        acc_ref[...] = part

    @pl.when(k > 0)
    def _():
        acc_ref[...] += part

    @pl.when(k == NK - 1)
    def _():
        h = jnp.maximum(acc_ref[...] + b1_ref[...], 0.0)
        logits = lax.dot_general(
            h, w2_ref[...], (((1,), (1,)), ((), ())),
            preferred_element_type=jnp.float32) + b2_ref[...]
        m = jnp.max(logits, axis=1, keepdims=True)
        xc = logits - m
        lse = jnp.log(jnp.sum(jnp.exp(xc), axis=1, keepdims=True))
        out_ref[...] = xc - lse


def _tc_mlp(emb3, w1p, b1, w2, b2):
    return pl.pallas_call(
        _mlp_body,
        grid=(NK,),
        in_specs=[
            pl.BlockSpec((B_CHUNK, K_BLK // 128, 128), lambda k: (0, k, 0)),
            pl.BlockSpec((HIDDEN, K_BLK), lambda k: (0, k)),
            pl.BlockSpec((1, HIDDEN), lambda k: (0, 0)),
            pl.BlockSpec((6, HIDDEN), lambda k: (0, 0)),
            pl.BlockSpec((1, 6), lambda k: (0, 0)),
        ],
        out_specs=pl.BlockSpec((B_CHUNK, 6), lambda k: (0, 0)),
        out_shape=jax.ShapeDtypeStruct((B_CHUNK, 6), jnp.float32),
        scratch_shapes=[pltpu.VMEM((B_CHUNK, HIDDEN), jnp.float32)],
    )(emb3, w1p, b1, w2, b2)


def kernel(inputs, table, W1, b1, W2, b2):
    idx32 = inputs.astype(jnp.int32)
    idxp = jnp.concatenate([idx32, idx32[:, : SEQ_PAD - SEQ]], axis=1)
    w1p = _w1_permute(W1)
    b1r, b2r = b1.reshape(1, HIDDEN), b2.reshape(1, 6)
    embs = []
    for q in range(NSPLIT):
        idx3 = idxp[q * B_CHUNK:(q + 1) * B_CHUNK].reshape(NW, NG, G)
        embs.append(_sc_gather(idx3, table))
    outs = []
    for q in range(NSPLIT):
        emb3 = embs[q].reshape(B_CHUNK, K_PAD // 128, 128)
        outs.append(_tc_mlp(emb3, w1p, b1r, W2, b2r))
    return jnp.concatenate(outs, axis=0)

# --- scband reference (transcript-rebuilt; emitter-appended) ---
"""Pipeline reference for scband-net-52355651338959 (READ-ONLY COPY).

The authoritative reference and input builder live on the scoring server;
editing this copy changes nothing except your own understanding.
"""

import jax, jax.numpy as jnp
import numpy as np

VOCAB = 1000000
EMBED = 32
HIDDEN = 256
SEQ = 1000
BATCH = 1024

def setup_inputs(seed: int = 0) -> dict:
    key = jax.random.key(seed)
    k1, k2, k3, k4, k5, k6 = jax.random.split(key, 6)
    inputs = jax.random.randint(k1, (BATCH, SEQ), 0, VOCAB, dtype=jnp.int64 if jax.config.jax_enable_x64 else jnp.int32)
    table = jax.random.normal(k2, (VOCAB, EMBED), dtype=jnp.float32)
    W1 = jax.random.normal(k3, (HIDDEN, EMBED * SEQ), dtype=jnp.float32) * (1.0 / np.sqrt(EMBED * SEQ))
    b1 = jax.random.normal(k4, (HIDDEN,), dtype=jnp.float32) * 0.01
    W2 = jax.random.normal(k5, (6, HIDDEN), dtype=jnp.float32) * (1.0 / np.sqrt(HIDDEN))
    b2 = jax.random.normal(k6, (6,), dtype=jnp.float32) * 0.01
    return {"inputs": inputs, "table": table, "W1": W1, "b1": b1, "W2": W2, "b2": b2}

def reference(inputs, table, W1, b1, W2, b2):
    # embedding lookup (gather)
    emb = jnp.take(table, inputs, axis=0)          # [B, SEQ, EMBED]
    # permute(0, 2, 1) then flatten
    x = jnp.transpose(emb, (0, 2, 1)).reshape(emb.shape[0], -1)  # [B, EMBED*SEQ]
    # embedding2hidden + relu (dropout is identity in eval)
    h = jnp.maximum(x @ W1.T + b1, 0.0)
    # hidden2label
    logits = h @ W2.T + b2
    # LogSoftmax(dim=1)
    return jax.nn.log_softmax(logits, axis=1)

if __name__ == "__main__":
    import jax
    _d = setup_inputs()
    print(jax.jit(kernel)(*tuple(_d.values())))

</pallas_src>

<mosaic_0001>
#map = affine_map<(d0, d1) -> (0, 0, 0)>
#map1 = affine_map<(d0, d1) -> (0, 0)>
module attributes {stable_mosaic.version = 14 : i64} {
  func.func @gather_kernel(%arg0: i32, %arg1: i32, %arg2: memref<32x128x128xi32, #tpu.memory_space<hbm>>, %arg3: memref<1000000x32xf32, #tpu.memory_space<hbm>>, %arg4: memref<524288x32xf32, #tpu.memory_space<hbm>>, %arg5: memref<128x128xi32, #tpu.memory_space<vmem>>, %arg6: memref<2x128x32xf32, #tpu.memory_space<vmem>>, %arg7: memref<2x!tpu.dma_semaphore, #tpu.memory_space<semaphore_mem>>) attributes {dimension_semantics = [#tpu.dimension_semantics<core_parallel>, #tpu.dimension_semantics<subcore_parallel>], iteration_bounds = array<i64: 2, 16>, scalar_prefetch = 0 : i64, scratch_operands = 3 : i64, tpu.core_type = #tpu.core_type<sc_vector_subcore>, window_params = [{transform_indices = #map}, {transform_indices = #map1}, {transform_indices = #map1}]} {
    %mul3A = arith.constant 2 : i32
    %mul3A_0 = arith.muli %arg1, %mul3A : i32
    %add3A = arith.addi %mul3A_0, %arg0 : i32
    "tpu.region"() ({
      %run_scoped3A = tpu.sem_alloc : memref<!tpu.dma_semaphore, #tpu.memory_space<semaphore_mem>>
      %dma_start3A_23 = arith.constant 0 : i32
      %dma_start3A_24 = arith.constant 0 : i32
      %dma_start3A_25 = tpu.memref_slice %arg2[%add3A, %dma_start3A_23, %dma_start3A_24] : memref<32x128x128xi32, #tpu.memory_space<hbm>> -> memref<1x128x128xi32, #tpu.memory_space<hbm>>
      %dma_start3A_26 = tpu.memref_squeeze %dma_start3A_25 : memref<1x128x128xi32, #tpu.memory_space<hbm>> -> memref<128x128xi32, #tpu.memory_space<hbm>>
      %dma_start3A_27 = arith.constant 0 : i32
      %dma_start3A_28 = arith.constant 0 : i32
      %dma_start3A_29 = tpu.memref_slice %arg2[%add3A, %dma_start3A_27, %dma_start3A_28] : memref<32x128x128xi32, #tpu.memory_space<hbm>> -> memref<1x128x128xi32, #tpu.memory_space<hbm>>
      %dma_start3A_30 = tpu.memref_squeeze %dma_start3A_29 : memref<1x128x128xi32, #tpu.memory_space<hbm>> -> memref<128x128xi32, #tpu.memory_space<hbm>>
      tpu.enqueue_dma source(%dma_start3A_30 : memref<128x128xi32, #tpu.memory_space<hbm>>) target(%arg5 : memref<128x128xi32, #tpu.memory_space<vmem>>) target_semaphore(%run_scoped3A : memref<!tpu.dma_semaphore, #tpu.memory_space<semaphore_mem>>)
      %dma_wait3A = arith.constant 0 : i32
      %dma_wait3A_31 = arith.constant 0 : i32
      %dma_wait3A_32 = tpu.memref_slice %arg2[%add3A, %dma_wait3A, %dma_wait3A_31] : memref<32x128x128xi32, #tpu.memory_space<hbm>> -> memref<1x128x128xi32, #tpu.memory_space<hbm>>
      %dma_wait3A_33 = tpu.memref_squeeze %dma_wait3A_32 : memref<1x128x128xi32, #tpu.memory_space<hbm>> -> memref<128x128xi32, #tpu.memory_space<hbm>>
      %dma_wait3A_34 = arith.constant 0 : i32
      %dma_wait3A_35 = arith.constant 0 : i32
      %dma_wait3A_36 = tpu.memref_slice %arg2[%add3A, %dma_wait3A_34, %dma_wait3A_35] : memref<32x128x128xi32, #tpu.memory_space<hbm>> -> memref<1x128x128xi32, #tpu.memory_space<hbm>>
      %dma_wait3A_37 = tpu.memref_squeeze %dma_wait3A_36 : memref<1x128x128xi32, #tpu.memory_space<hbm>> -> memref<128x128xi32, #tpu.memory_space<hbm>>
      tpu.wait_dma2 semaphore(%run_scoped3A : memref<!tpu.dma_semaphore, #tpu.memory_space<semaphore_mem>>) src(%dma_wait3A_37 : memref<128x128xi32, #tpu.memory_space<hbm>>) dst(%arg5 : memref<128x128xi32, #tpu.memory_space<vmem>>)
      tpu.yield
    }) : () -> ()
    %mul3A_1 = arith.constant 128 : i32
    %mul3A_2 = arith.muli %add3A, %mul3A_1 : i32
    %dma_start3A = arith.constant 0 : i32
    %dma_start3A_3 = arith.constant 0 : i32
    %dma_start3A_4 = arith.constant 0 : i32
    %dma_start3A_5 = arith.constant 0 : i32
    %dma_start3A_6 = arith.constant 0 : i32
    %dma_start3A_7 = tpu.memref_slice %arg6[%dma_start3A_3, %dma_start3A_5, %dma_start3A_6] : memref<2x128x32xf32, #tpu.memory_space<vmem>> -> memref<1x128x32xf32, #tpu.memory_space<vmem>>
    %dma_start3A_8 = tpu.memref_squeeze %dma_start3A_7 : memref<1x128x32xf32, #tpu.memory_space<vmem>> -> memref<128x32xf32, #tpu.memory_space<vmem>>
    %dma_start3A_9 = arith.constant 0 : i32
    %dma_start3A_10 = tpu.memref_slice %arg5[%dma_start3A, %dma_start3A_9] : memref<128x128xi32, #tpu.memory_space<vmem>> -> memref<1x128xi32, #tpu.memory_space<vmem>>
    %dma_start3A_11 = tpu.memref_squeeze %dma_start3A_10 : memref<1x128xi32, #tpu.memory_space<vmem>> -> memref<128xi32, #tpu.memory_space<vmem>>
    %dma_start3A_12 = arith.constant 0 : i32
    %dma_start3A_13 = arith.constant 0 : i32
    %dma_start3A_14 = tpu.memref_slice %arg3[%dma_start3A_12, %dma_start3A_13] : memref<1000000x32xf32, #tpu.memory_space<hbm>> -> memref<1000000x32xf32, #tpu.memory_space<hbm>>
    %dma_start3A_15 = tpu.memref_slice %arg7[%dma_start3A_4] : memref<2x!tpu.dma_semaphore, #tpu.memory_space<semaphore_mem>> -> memref<1x!tpu.dma_semaphore, #tpu.memory_space<semaphore_mem>>
    %dma_start3A_16 = tpu.memref_squeeze %dma_start3A_15 : memref<1x!tpu.dma_semaphore, #tpu.memory_space<semaphore_mem>> -> memref<!tpu.dma_semaphore, #tpu.memory_space<semaphore_mem>>
    tpu.enqueue_indirect_dma source(%dma_start3A_14 : memref<1000000x32xf32, #tpu.memory_space<hbm>>) target(%dma_start3A_8 : memref<128x32xf32, #tpu.memory_space<vmem>>) offsets(%dma_start3A_11 : memref<128xi32, #tpu.memory_space<vmem>>) semaphore(%dma_start3A_16 : memref<!tpu.dma_semaphore, #tpu.memory_space<semaphore_mem>>)
    %scan3A = arith.constant 0 : i32
    %scan3A_17 = arith.constant 0 : i32
    %scan3A_18 = arith.constant 128 : i32
    %scan3A_19 = arith.addi %scan3A_17, %scan3A_18 : i32
    %scan3A_20 = arith.constant 1 : i32
    %scan3A_21 = scf.for %scan3A_23 = %scan3A_17 to %scan3A_19 step %scan3A_20 iter_args(%scan3A_24 = %scan3A) -> (i32)  : i32 {
      %rem3A = arith.constant 2 : i32
      %rem3A_25 = arith.remsi %scan3A_23, %rem3A : i32
      %add3A_26 = arith.constant 1 : i32
      %add3A_27 = arith.addi %scan3A_23, %add3A_26 : i32
      %rem3A_28 = arith.constant 2 : i32
      %rem3A_29 = arith.remsi %add3A_27, %rem3A_28 : i32
      %add3A_30 = arith.constant 1 : i32
      %add3A_31 = arith.addi %scan3A_23, %add3A_30 : i32
      %lt3A = arith.constant 128 : i32
      %lt3A_32 = arith.cmpi slt, %add3A_31, %lt3A : i32
      %convert_element_type3A = arith.extui %lt3A_32 : i1 to i32
      %cond3A = arith.constant 0 : i32
      %cond3A_33 = arith.cmpi ne, %convert_element_type3A, %cond3A : i32
      scf.if %cond3A_33 {
        %add3A_49 = arith.constant 1 : i32
        %add3A_50 = arith.addi %scan3A_23, %add3A_49 : i32
        %dma_start3A_51 = arith.constant 0 : i32
        %dma_start3A_52 = arith.constant 0 : i32
        %dma_start3A_53 = tpu.memref_slice %arg6[%rem3A_29, %dma_start3A_51, %dma_start3A_52] : memref<2x128x32xf32, #tpu.memory_space<vmem>> -> memref<1x128x32xf32, #tpu.memory_space<vmem>>
        %dma_start3A_54 = tpu.memref_squeeze %dma_start3A_53 : memref<1x128x32xf32, #tpu.memory_space<vmem>> -> memref<128x32xf32, #tpu.memory_space<vmem>>
        %dma_start3A_55 = arith.constant 0 : i32
        %dma_start3A_56 = tpu.memref_slice %arg5[%add3A_50, %dma_start3A_55] : memref<128x128xi32, #tpu.memory_space<vmem>> -> memref<1x128xi32, #tpu.memory_space<vmem>>
        %dma_start3A_57 = tpu.memref_squeeze %dma_start3A_56 : memref<1x128xi32, #tpu.memory_space<vmem>> -> memref<128xi32, #tpu.memory_space<vmem>>
        %dma_start3A_58 = arith.constant 0 : i32
        %dma_start3A_59 = arith.constant 0 : i32
        %dma_start3A_60 = tpu.memref_slice %arg3[%dma_start3A_58, %dma_start3A_59] : memref<1000000x32xf32, #tpu.memory_space<hbm>> -> memref<1000000x32xf32, #tpu.memory_space<hbm>>
        %dma_start3A_61 = tpu.memref_slice %arg7[%rem3A_29] : memref<2x!tpu.dma_semaphore, #tpu.memory_space<semaphore_mem>> -> memref<1x!tpu.dma_semaphore, #tpu.memory_space<semaphore_mem>>
        %dma_start3A_62 = tpu.memref_squeeze %dma_start3A_61 : memref<1x!tpu.dma_semaphore, #tpu.memory_space<semaphore_mem>> -> memref<!tpu.dma_semaphore, #tpu.memory_space<semaphore_mem>>
        tpu.enqueue_indirect_dma source(%dma_start3A_60 : memref<1000000x32xf32, #tpu.memory_space<hbm>>) target(%dma_start3A_54 : memref<128x32xf32, #tpu.memory_space<vmem>>) offsets(%dma_start3A_57 : memref<128xi32, #tpu.memory_space<vmem>>) semaphore(%dma_start3A_62 : memref<!tpu.dma_semaphore, #tpu.memory_space<semaphore_mem>>)
      } else {
      }
      %dma_wait3A = arith.constant 0 : i32
      %dma_wait3A_34 = arith.constant 0 : i32
      %dma_wait3A_35 = tpu.memref_slice %arg6[%rem3A_25, %dma_wait3A, %dma_wait3A_34] : memref<2x128x32xf32, #tpu.memory_space<vmem>> -> memref<1x128x32xf32, #tpu.memory_space<vmem>>
      %dma_wait3A_36 = tpu.memref_squeeze %dma_wait3A_35 : memref<1x128x32xf32, #tpu.memory_space<vmem>> -> memref<128x32xf32, #tpu.memory_space<vmem>>
      %dma_wait3A_37 = arith.constant 0 : i32
      %dma_wait3A_38 = tpu.memref_slice %arg5[%scan3A_23, %dma_wait3A_37] : memref<128x128xi32, #tpu.memory_space<vmem>> -> memref<1x128xi32, #tpu.memory_space<vmem>>
      %dma_wait3A_39 = tpu.memref_squeeze %dma_wait3A_38 : memref<1x128xi32, #tpu.memory_space<vmem>> -> memref<128xi32, #tpu.memory_space<vmem>>
      %dma_wait3A_40 = arith.constant 0 : i32
      %dma_wait3A_41 = arith.constant 0 : i32
      %dma_wait3A_42 = tpu.memref_slice %arg3[%dma_wait3A_40, %dma_wait3A_41] : memref<1000000x32xf32, #tpu.memory_space<hbm>> -> memref<1000000x32xf32, #tpu.memory_space<hbm>>
      %dma_wait3A_43 = tpu.memref_slice %arg7[%rem3A_25] : memref<2x!tpu.dma_semaphore, #tpu.memory_space<semaphore_mem>> -> memref<1x!tpu.dma_semaphore, #tpu.memory_space<semaphore_mem>>
      %dma_wait3A_44 = tpu.memref_squeeze %dma_wait3A_43 : memref<1x!tpu.dma_semaphore, #tpu.memory_space<semaphore_mem>> -> memref<!tpu.dma_semaphore, #tpu.memory_space<semaphore_mem>>
      tpu.wait_indirect_dma semaphore(%dma_wait3A_44 : memref<!tpu.dma_semaphore, #tpu.memory_space<semaphore_mem>>) src(%dma_wait3A_42 : memref<1000000x32xf32, #tpu.memory_space<hbm>>) dst(%dma_wait3A_36 : memref<128x32xf32, #tpu.memory_space<vmem>>)
      %add3A_45 = arith.addi %mul3A_2, %scan3A_23 : i32
      %mul3A_46 = arith.constant 128 : i32
      %mul3A_47 = arith.muli %add3A_45, %mul3A_46 : i32
      "tpu.region"() ({
        %run_scoped3A = tpu.sem_alloc : memref<!tpu.dma_semaphore, #tpu.memory_space<semaphore_mem>>
        %dma_start3A_49 = arith.constant 0 : i32
        %dma_start3A_50 = arith.constant 0 : i32
        %dma_start3A_51 = tpu.memref_slice %arg6[%rem3A_25, %dma_start3A_49, %dma_start3A_50] : memref<2x128x32xf32, #tpu.memory_space<vmem>> -> memref<1x128x32xf32, #tpu.memory_space<vmem>>
        %dma_start3A_52 = tpu.memref_squeeze %dma_start3A_51 : memref<1x128x32xf32, #tpu.memory_space<vmem>> -> memref<128x32xf32, #tpu.memory_space<vmem>>
        %dma_start3A_53 = arith.constant 0 : i32
        %dma_start3A_54 = tpu.memref_slice %arg4[%mul3A_47, %dma_start3A_53] : memref<524288x32xf32, #tpu.memory_space<hbm>> -> memref<128x32xf32, #tpu.memory_space<hbm>>
        %dma_start3A_55 = arith.constant 0 : i32
        %dma_start3A_56 = tpu.memref_slice %arg4[%mul3A_47, %dma_start3A_55] : memref<524288x32xf32, #tpu.memory_space<hbm>> -> memref<128x32xf32, #tpu.memory_space<hbm>>
        %dma_start3A_57 = arith.constant 0 : i32
        %dma_start3A_58 = arith.constant 0 : i32
        %dma_start3A_59 = tpu.memref_slice %arg6[%rem3A_25, %dma_start3A_57, %dma_start3A_58] : memref<2x128x32xf32, #tpu.memory_space<vmem>> -> memref<1x128x32xf32, #tpu.memory_space<vmem>>
        %dma_start3A_60 = tpu.memref_squeeze %dma_start3A_59 : memref<1x128x32xf32, #tpu.memory_space<vmem>> -> memref<128x32xf32, #tpu.memory_space<vmem>>
        tpu.enqueue_dma source(%dma_start3A_60 : memref<128x32xf32, #tpu.memory_space<vmem>>) target(%dma_start3A_56 : memref<128x32xf32, #tpu.memory_space<hbm>>) target_semaphore(%run_scoped3A : memref<!tpu.dma_semaphore, #tpu.memory_space<semaphore_mem>>)
        %dma_wait3A_61 = arith.constant 0 : i32
        %dma_wait3A_62 = arith.constant 0 : i32
        %dma_wait3A_63 = tpu.memref_slice %arg6[%rem3A_25, %dma_wait3A_61, %dma_wait3A_62] : memref<2x128x32xf32, #tpu.memory_space<vmem>> -> memref<1x128x32xf32, #tpu.memory_space<vmem>>
        %dma_wait3A_64 = tpu.memref_squeeze %dma_wait3A_63 : memref<1x128x32xf32, #tpu.memory_space<vmem>> -> memref<128x32xf32, #tpu.memory_space<vmem>>
        %dma_wait3A_65 = arith.constant 0 : i32
        %dma_wait3A_66 = tpu.memref_slice %arg4[%mul3A_47, %dma_wait3A_65] : memref<524288x32xf32, #tpu.memory_space<hbm>> -> memref<128x32xf32, #tpu.memory_space<hbm>>
        %dma_wait3A_67 = arith.constant 0 : i32
        %dma_wait3A_68 = tpu.memref_slice %arg4[%mul3A_47, %dma_wait3A_67] : memref<524288x32xf32, #tpu.memory_space<hbm>> -> memref<128x32xf32, #tpu.memory_space<hbm>>
        %dma_wait3A_69 = arith.constant 0 : i32
        %dma_wait3A_70 = arith.constant 0 : i32
        %dma_wait3A_71 = tpu.memref_slice %arg6[%rem3A_25, %dma_wait3A_69, %dma_wait3A_70] : memref<2x128x32xf32, #tpu.memory_space<vmem>> -> memref<1x128x32xf32, #tpu.memory_space<vmem>>
        %dma_wait3A_72 = tpu.memref_squeeze %dma_wait3A_71 : memref<1x128x32xf32, #tpu.memory_space<vmem>> -> memref<128x32xf32, #tpu.memory_space<vmem>>
        tpu.wait_dma2 semaphore(%run_scoped3A : memref<!tpu.dma_semaphore, #tpu.memory_space<semaphore_mem>>) src(%dma_wait3A_72 : memref<128x32xf32, #tpu.memory_space<vmem>>) dst(%dma_wait3A_68 : memref<128x32xf32, #tpu.memory_space<hbm>>)
        tpu.yield
      }) : () -> ()
      %scan3A_48 = arith.constant 0 : i32
      scf.yield %scan3A_48 : i32
    }
    %scan3A_22 = arith.constant 128 : i32
    return
  }
}

#map = affine_map<(d0, d1) -> (0, 0, 0)>
#map1 = affine_map<(d0, d1) -> (0, 0)>
module attributes {stable_mosaic.version = 14 : i64} {
  func.func @gather_kernel(%arg0: i32, %arg1: i32, %arg2: memref<32x128x128xi32, #tpu.memory_space<hbm>>, %arg3: memref<1000000x32xf32, #tpu.memory_space<hbm>>, %arg4: memref<524288x32xf32, #tpu.memory_space<hbm>>, %arg5: memref<128x128xi32, #tpu.memory_space<vmem>>, %arg6: memref<2x128x32xf32, #tpu.memory_space<vmem>>, %arg7: memref<2x!tpu.dma_semaphore, #tpu.memory_space<semaphore_mem>>) attributes {dimension_semantics = [#tpu.dimension_semantics<core_parallel>, #tpu.dimension_semantics<subcore_parallel>], iteration_bounds = array<i64: 2, 16>, scalar_prefetch = 0 : i64, scratch_operands = 3 : i64, tpu.core_type = #tpu.core_type<sc_vector_subcore>, window_params = [{transform_indices = #map}, {transform_indices = #map1}, {transform_indices = #map1}]} {
    %mul3A = arith.constant 2 : i32
    %mul3A_0 = arith.muli %arg1, %mul3A : i32
    %add3A = arith.addi %mul3A_0, %arg0 : i32
    "tpu.region"() ({
      %run_scoped3A = tpu.sem_alloc : memref<!tpu.dma_semaphore, #tpu.memory_space<semaphore_mem>>
      %dma_start3A_23 = arith.constant 0 : i32
      %dma_start3A_24 = arith.constant 0 : i32
      %dma_start3A_25 = tpu.memref_slice %arg2[%add3A, %dma_start3A_23, %dma_start3A_24] : memref<32x128x128xi32, #tpu.memory_space<hbm>> -> memref<1x128x128xi32, #tpu.memory_space<hbm>>
      %dma_start3A_26 = tpu.memref_squeeze %dma_start3A_25 : memref<1x128x128xi32, #tpu.memory_space<hbm>> -> memref<128x128xi32, #tpu.memory_space<hbm>>
      %dma_start3A_27 = arith.constant 0 : i32
      %dma_start3A_28 = arith.constant 0 : i32
      %dma_start3A_29 = tpu.memref_slice %arg2[%add3A, %dma_start3A_27, %dma_start3A_28] : memref<32x128x128xi32, #tpu.memory_space<hbm>> -> memref<1x128x128xi32, #tpu.memory_space<hbm>>
      %dma_start3A_30 = tpu.memref_squeeze %dma_start3A_29 : memref<1x128x128xi32, #tpu.memory_space<hbm>> -> memref<128x128xi32, #tpu.memory_space<hbm>>
      tpu.enqueue_dma source(%dma_start3A_30 : memref<128x128xi32, #tpu.memory_space<hbm>>) target(%arg5 : memref<128x128xi32, #tpu.memory_space<vmem>>) target_semaphore(%run_scoped3A : memref<!tpu.dma_semaphore, #tpu.memory_space<semaphore_mem>>)
      %dma_wait3A = arith.constant 0 : i32
      %dma_wait3A_31 = arith.constant 0 : i32
      %dma_wait3A_32 = tpu.memref_slice %arg2[%add3A, %dma_wait3A, %dma_wait3A_31] : memref<32x128x128xi32, #tpu.memory_space<hbm>> -> memref<1x128x128xi32, #tpu.memory_space<hbm>>
      %dma_wait3A_33 = tpu.memref_squeeze %dma_wait3A_32 : memref<1x128x128xi32, #tpu.memory_space<hbm>> -> memref<128x128xi32, #tpu.memory_space<hbm>>
      %dma_wait3A_34 = arith.constant 0 : i32
      %dma_wait3A_35 = arith.constant 0 : i32
      %dma_wait3A_36 = tpu.memref_slice %arg2[%add3A, %dma_wait3A_34, %dma_wait3A_35] : memref<32x128x128xi32, #tpu.memory_space<hbm>> -> memref<1x128x128xi32, #tpu.memory_space<hbm>>
      %dma_wait3A_37 = tpu.memref_squeeze %dma_wait3A_36 : memref<1x128x128xi32, #tpu.memory_space<hbm>> -> memref<128x128xi32, #tpu.memory_space<hbm>>
      tpu.wait_dma2 semaphore(%run_scoped3A : memref<!tpu.dma_semaphore, #tpu.memory_space<semaphore_mem>>) src(%dma_wait3A_37 : memref<128x128xi32, #tpu.memory_space<hbm>>) dst(%arg5 : memref<128x128xi32, #tpu.memory_space<vmem>>)
      tpu.yield
    }) : () -> ()
    %mul3A_1 = arith.constant 128 : i32
    %mul3A_2 = arith.muli %add3A, %mul3A_1 : i32
    %dma_start3A = arith.constant 0 : i32
    %dma_start3A_3 = arith.constant 0 : i32
    %dma_start3A_4 = arith.constant 0 : i32
    %dma_start3A_5 = arith.constant 0 : i32
    %dma_start3A_6 = arith.constant 0 : i32
    %dma_start3A_7 = tpu.memref_slice %arg6[%dma_start3A_3, %dma_start3A_5, %dma_start3A_6] : memref<2x128x32xf32, #tpu.memory_space<vmem>> -> memref<1x128x32xf32, #tpu.memory_space<vmem>>
    %dma_start3A_8 = tpu.memref_squeeze %dma_start3A_7 : memref<1x128x32xf32, #tpu.memory_space<vmem>> -> memref<128x32xf32, #tpu.memory_space<vmem>>
    %dma_start3A_9 = arith.constant 0 : i32
    %dma_start3A_10 = tpu.memref_slice %arg5[%dma_start3A, %dma_start3A_9] : memref<128x128xi32, #tpu.memory_space<vmem>> -> memref<1x128xi32, #tpu.memory_space<vmem>>
    %dma_start3A_11 = tpu.memref_squeeze %dma_start3A_10 : memref<1x128xi32, #tpu.memory_space<vmem>> -> memref<128xi32, #tpu.memory_space<vmem>>
    %dma_start3A_12 = arith.constant 0 : i32
    %dma_start3A_13 = arith.constant 0 : i32
    %dma_start3A_14 = tpu.memref_slice %arg3[%dma_start3A_12, %dma_start3A_13] : memref<1000000x32xf32, #tpu.memory_space<hbm>> -> memref<1000000x32xf32, #tpu.memory_space<hbm>>
    %dma_start3A_15 = tpu.memref_slice %arg7[%dma_start3A_4] : memref<2x!tpu.dma_semaphore, #tpu.memory_space<semaphore_mem>> -> memref<1x!tpu.dma_semaphore, #tpu.memory_space<semaphore_mem>>
    %dma_start3A_16 = tpu.memref_squeeze %dma_start3A_15 : memref<1x!tpu.dma_semaphore, #tpu.memory_space<semaphore_mem>> -> memref<!tpu.dma_semaphore, #tpu.memory_space<semaphore_mem>>
    tpu.enqueue_indirect_dma source(%dma_start3A_14 : memref<1000000x32xf32, #tpu.memory_space<hbm>>) target(%dma_start3A_8 : memref<128x32xf32, #tpu.memory_space<vmem>>) offsets(%dma_start3A_11 : memref<128xi32, #tpu.memory_space<vmem>>) semaphore(%dma_start3A_16 : memref<!tpu.dma_semaphore, #tpu.memory_space<semaphore_mem>>)
    %scan3A = arith.constant 0 : i32
    %scan3A_17 = arith.constant 0 : i32
    %scan3A_18 = arith.constant 128 : i32
    %scan3A_19 = arith.addi %scan3A_17, %scan3A_18 : i32
    %scan3A_20 = arith.constant 1 : i32
    %scan3A_21 = scf.for %scan3A_23 = %scan3A_17 to %scan3A_19 step %scan3A_20 iter_args(%scan3A_24 = %scan3A) -> (i32)  : i32 {
      %rem3A = arith.constant 2 : i32
      %rem3A_25 = arith.remsi %scan3A_23, %rem3A : i32
      %add3A_26 = arith.constant 1 : i32
      %add3A_27 = arith.addi %scan3A_23, %add3A_26 : i32
      %rem3A_28 = arith.constant 2 : i32
      %rem3A_29 = arith.remsi %add3A_27, %rem3A_28 : i32
      %add3A_30 = arith.constant 1 : i32
      %add3A_31 = arith.addi %scan3A_23, %add3A_30 : i32
      %lt3A = arith.constant 128 : i32
      %lt3A_32 = arith.cmpi slt, %add3A_31, %lt3A : i32
      %convert_element_type3A = arith.extui %lt3A_32 : i1 to i32
      %cond3A = arith.constant 0 : i32
      %cond3A_33 = arith.cmpi ne, %convert_element_type3A, %cond3A : i32
      scf.if %cond3A_33 {
        %add3A_49 = arith.constant 1 : i32
        %add3A_50 = arith.addi %scan3A_23, %add3A_49 : i32
        %dma_start3A_51 = arith.constant 0 : i32
        %dma_start3A_52 = arith.constant 0 : i32
        %dma_start3A_53 = tpu.memref_slice %arg6[%rem3A_29, %dma_start3A_51, %dma_start3A_52] : memref<2x128x32xf32, #tpu.memory_space<vmem>> -> memref<1x128x32xf32, #tpu.memory_space<vmem>>
        %dma_start3A_54 = tpu.memref_squeeze %dma_start3A_53 : memref<1x128x32xf32, #tpu.memory_space<vmem>> -> memref<128x32xf32, #tpu.memory_space<vmem>>
        %dma_start3A_55 = arith.constant 0 : i32
        %dma_start3A_56 = tpu.memref_slice %arg5[%add3A_50, %dma_start3A_55] : memref<128x128xi32, #tpu.memory_space<vmem>> -> memref<1x128xi32, #tpu.memory_space<vmem>>
        %dma_start3A_57 = tpu.memref_squeeze %dma_start3A_56 : memref<1x128xi32, #tpu.memory_space<vmem>> -> memref<128xi32, #tpu.memory_space<vmem>>
        %dma_start3A_58 = arith.constant 0 : i32
        %dma_start3A_59 = arith.constant 0 : i32
        %dma_start3A_60 = tpu.memref_slice %arg3[%dma_start3A_58, %dma_start3A_59] : memref<1000000x32xf32, #tpu.memory_space<hbm>> -> memref<1000000x32xf32, #tpu.memory_space<hbm>>
        %dma_start3A_61 = tpu.memref_slice %arg7[%rem3A_29] : memref<2x!tpu.dma_semaphore, #tpu.memory_space<semaphore_mem>> -> memref<1x!tpu.dma_semaphore, #tpu.memory_space<semaphore_mem>>
        %dma_start3A_62 = tpu.memref_squeeze %dma_start3A_61 : memref<1x!tpu.dma_semaphore, #tpu.memory_space<semaphore_mem>> -> memref<!tpu.dma_semaphore, #tpu.memory_space<semaphore_mem>>
        tpu.enqueue_indirect_dma source(%dma_start3A_60 : memref<1000000x32xf32, #tpu.memory_space<hbm>>) target(%dma_start3A_54 : memref<128x32xf32, #tpu.memory_space<vmem>>) offsets(%dma_start3A_57 : memref<128xi32, #tpu.memory_space<vmem>>) semaphore(%dma_start3A_62 : memref<!tpu.dma_semaphore, #tpu.memory_space<semaphore_mem>>)
      } else {
      }
      %dma_wait3A = arith.constant 0 : i32
      %dma_wait3A_34 = arith.constant 0 : i32
      %dma_wait3A_35 = tpu.memref_slice %arg6[%rem3A_25, %dma_wait3A, %dma_wait3A_34] : memref<2x128x32xf32, #tpu.memory_space<vmem>> -> memref<1x128x32xf32, #tpu.memory_space<vmem>>
      %dma_wait3A_36 = tpu.memref_squeeze %dma_wait3A_35 : memref<1x128x32xf32, #tpu.memory_space<vmem>> -> memref<128x32xf32, #tpu.memory_space<vmem>>
      %dma_wait3A_37 = arith.constant 0 : i32
      %dma_wait3A_38 = tpu.memref_slice %arg5[%scan3A_23, %dma_wait3A_37] : memref<128x128xi32, #tpu.memory_space<vmem>> -> memref<1x128xi32, #tpu.memory_space<vmem>>
      %dma_wait3A_39 = tpu.memref_squeeze %dma_wait3A_38 : memref<1x128xi32, #tpu.memory_space<vmem>> -> memref<128xi32, #tpu.memory_space<vmem>>
      %dma_wait3A_40 = arith.constant 0 : i32
      %dma_wait3A_41 = arith.constant 0 : i32
      %dma_wait3A_42 = tpu.memref_slice %arg3[%dma_wait3A_40, %dma_wait3A_41] : memref<1000000x32xf32, #tpu.memory_space<hbm>> -> memref<1000000x32xf32, #tpu.memory_space<hbm>>
      %dma_wait3A_43 = tpu.memref_slice %arg7[%rem3A_25] : memref<2x!tpu.dma_semaphore, #tpu.memory_space<semaphore_mem>> -> memref<1x!tpu.dma_semaphore, #tpu.memory_space<semaphore_mem>>
      %dma_wait3A_44 = tpu.memref_squeeze %dma_wait3A_43 : memref<1x!tpu.dma_semaphore, #tpu.memory_space<semaphore_mem>> -> memref<!tpu.dma_semaphore, #tpu.memory_space<semaphore_mem>>
      tpu.wait_indirect_dma semaphore(%dma_wait3A_44 : memref<!tpu.dma_semaphore, #tpu.memory_space<semaphore_mem>>) src(%dma_wait3A_42 : memref<1000000x32xf32, #tpu.memory_space<hbm>>) dst(%dma_wait3A_36 : memref<128x32xf32, #tpu.memory_space<vmem>>)
      %add3A_45 = arith.addi %mul3A_2, %scan3A_23 : i32
      %mul3A_46 = arith.constant 128 : i32
      %mul3A_47 = arith.muli %add3A_45, %mul3A_46 : i32
      "tpu.region"() ({
        %run_scoped3A = tpu.sem_alloc : memref<!tpu.dma_semaphore, #tpu.memory_space<semaphore_mem>>
        %dma_start3A_49 = arith.constant 0 : i32
        %dma_start3A_50 = arith.constant 0 : i32
        %dma_start3A_51 = tpu.memref_slice %arg6[%rem3A_25, %dma_start3A_49, %dma_start3A_50] : memref<2x128x32xf32, #tpu.memory_space<vmem>> -> memref<1x128x32xf32, #tpu.memory_space<vmem>>
        %dma_start3A_52 = tpu.memref_squeeze %dma_start3A_51 : memref<1x128x32xf32, #tpu.memory_space<vmem>> -> memref<128x32xf32, #tpu.memory_space<vmem>>
        %dma_start3A_53 = arith.constant 0 : i32
        %dma_start3A_54 = tpu.memref_slice %arg4[%mul3A_47, %dma_start3A_53] : memref<524288x32xf32, #tpu.memory_space<hbm>> -> memref<128x32xf32, #tpu.memory_space<hbm>>
        %dma_start3A_55 = arith.constant 0 : i32
        %dma_start3A_56 = tpu.memref_slice %arg4[%mul3A_47, %dma_start3A_55] : memref<524288x32xf32, #tpu.memory_space<hbm>> -> memref<128x32xf32, #tpu.memory_space<hbm>>
        %dma_start3A_57 = arith.constant 0 : i32
        %dma_start3A_58 = arith.constant 0 : i32
        %dma_start3A_59 = tpu.memref_slice %arg6[%rem3A_25, %dma_start3A_57, %dma_start3A_58] : memref<2x128x32xf32, #tpu.memory_space<vmem>> -> memref<1x128x32xf32, #tpu.memory_space<vmem>>
        %dma_start3A_60 = tpu.memref_squeeze %dma_start3A_59 : memref<1x128x32xf32, #tpu.memory_space<vmem>> -> memref<128x32xf32, #tpu.memory_space<vmem>>
        tpu.enqueue_dma source(%dma_start3A_60 : memref<128x32xf32, #tpu.memory_space<vmem>>) target(%dma_start3A_56 : memref<128x32xf32, #tpu.memory_space<hbm>>) target_semaphore(%run_scoped3A : memref<!tpu.dma_semaphore, #tpu.memory_space<semaphore_mem>>)
        %dma_wait3A_61 = arith.constant 0 : i32
        %dma_wait3A_62 = arith.constant 0 : i32
        %dma_wait3A_63 = tpu.memref_slice %arg6[%rem3A_25, %dma_wait3A_61, %dma_wait3A_62] : memref<2x128x32xf32, #tpu.memory_space<vmem>> -> memref<1x128x32xf32, #tpu.memory_space<vmem>>
        %dma_wait3A_64 = tpu.memref_squeeze %dma_wait3A_63 : memref<1x128x32xf32, #tpu.memory_space<vmem>> -> memref<128x32xf32, #tpu.memory_space<vmem>>
        %dma_wait3A_65 = arith.constant 0 : i32
        %dma_wait3A_66 = tpu.memref_slice %arg4[%mul3A_47, %dma_wait3A_65] : memref<524288x32xf32, #tpu.memory_space<hbm>> -> memref<128x32xf32, #tpu.memory_space<hbm>>
        %dma_wait3A_67 = arith.constant 0 : i32
        %dma_wait3A_68 = tpu.memref_slice %arg4[%mul3A_47, %dma_wait3A_67] : memref<524288x32xf32, #tpu.memory_space<hbm>> -> memref<128x32xf32, #tpu.memory_space<hbm>>
        %dma_wait3A_69 = arith.constant 0 : i32
        %dma_wait3A_70 = arith.constant 0 : i32
        %dma_wait3A_71 = tpu.memref_slice %arg6[%rem3A_25, %dma_wait3A_69, %dma_wait3A_70] : memref<2x128x32xf32, #tpu.memory_space<vmem>> -> memref<1x128x32xf32, #tpu.memory_space<vmem>>
        %dma_wait3A_72 = tpu.memref_squeeze %dma_wait3A_71 : memref<1x128x32xf32, #tpu.memory_space<vmem>> -> memref<128x32xf32, #tpu.memory_space<vmem>>
        tpu.wait_dma2 semaphore(%run_scoped3A : memref<!tpu.dma_semaphore, #tpu.memory_space<semaphore_mem>>) src(%dma_wait3A_72 : memref<128x32xf32, #tpu.memory_space<vmem>>) dst(%dma_wait3A_68 : memref<128x32xf32, #tpu.memory_space<hbm>>)
        tpu.yield
      }) : () -> ()
      %scan3A_48 = arith.constant 0 : i32
      scf.yield %scan3A_48 : i32
    }
    %scan3A_22 = arith.constant 128 : i32
    return
  }
}

module attributes {stable_mosaic.version = 14 : i64} {
  func.func @_w1_perm_body(%arg0: i32, %arg1: memref<32x32x1000xf32, #tpu.memory_space<vmem>>, %arg2: memref<32x32768xbf16, #tpu.memory_space<vmem>>) attributes {dimension_semantics = [#tpu.dimension_semantics<arbitrary>], iteration_bounds = array<i64: 8>, scalar_prefetch = 0 : i64, scratch_operands = 0 : i64, tpu.core_type = #tpu.core_type<tc>, window_params = [{transform_indices = @transform_0, window_bounds = array<i64: 32, 32, 1000>}, {transform_indices = @transform_1, window_bounds = array<i64: 32, 32768>}]} {
    %get3A = arith.constant 0 : index
    %get3A_0 = arith.constant 0 : index
    %get3A_1 = arith.constant 0 : index
    %get3A_2 = vector.load %arg1[%get3A, %get3A_0, %get3A_1] : memref<32x32x1000xf32, #tpu.memory_space<vmem>>, vector<32x32x1000xf32>
    %transpose3A = tpu.transpose %get3A_2, [0, 2, 1] : vector<32x32x1000xf32> -> vector<32x1000x32xf32>
    %reshape3A = vector.shape_cast %transpose3A : vector<32x1000x32xf32> to vector<32x32000xf32>
    %convert_element_type3A = arith.truncf %reshape3A : vector<32x32000xf32> to vector<32x32000xbf16>
    %broadcast_in_dim3A = arith.constant 0.000000e+00 : bf16
    %broadcast_in_dim3A_3 = vector.broadcast %broadcast_in_dim3A : bf16 to vector<32x768xbf16>
    %concatenate3A = tpu.concatenate %convert_element_type3A, %broadcast_in_dim3A_3 in 1 : vector<32x32000xbf16>, vector<32x768xbf16> -> vector<32x32768xbf16>
    %swap3A = arith.constant 0 : index
    %swap3A_4 = arith.constant 0 : index
    %swap3A_5 = vector.load %arg2[%swap3A, %swap3A_4] : memref<32x32768xbf16, #tpu.memory_space<vmem>>, vector<32x32768xbf16>
    tpu.vector_store %arg2[%swap3A, %swap3A_4], %concatenate3A {strides = array<i32>} : memref<32x32768xbf16, #tpu.memory_space<vmem>>, vector<32x32768xbf16>,
    return
  }
  func.func @transform_0(%arg0: i32) -> (i32, i32, i32) {
    %c0_i32 = arith.constant 0 : i32
    %c0_i32_0 = arith.constant 0 : i32
    %c0_i32_1 = arith.constant 0 : i32
    return %arg0, %c0_i32, %c0_i32_0 : i32, i32, i32
  }
  func.func @transform_1(%arg0: i32) -> (i32, i32) {
    %c0_i32 = arith.constant 0 : i32
    %c0_i32_0 = arith.constant 0 : i32
    return %arg0, %c0_i32 : i32, i32
  }
}

module attributes {stable_mosaic.version = 14 : i64} {
  func.func @_mlp_body(%arg0: i32, %arg1: memref<512x8x128xf32, #tpu.memory_space<vmem>>, %arg2: memref<256x1024xbf16, #tpu.memory_space<vmem>>, %arg3: memref<1x256xf32, #tpu.memory_space<vmem>>, %arg4: memref<6x256xf32, #tpu.memory_space<vmem>>, %arg5: memref<1x6xf32, #tpu.memory_space<vmem>>, %arg6: memref<512x6xf32, #tpu.memory_space<vmem>>, %arg7: memref<512x256xf32, #tpu.memory_space<vmem>>) attributes {dimension_semantics = [#tpu.dimension_semantics<arbitrary>], iteration_bounds = array<i64: 32>, scalar_prefetch = 0 : i64, scratch_operands = 1 : i64, tpu.core_type = #tpu.core_type<tc>, window_params = [{transform_indices = @transform_0, window_bounds = array<i64: 512, 8, 128>}, {transform_indices = @transform_1, window_bounds = array<i64: 256, 1024>}, {pipeline_mode = #tpu.pipeline_mode<synchronous>, transform_indices = @transform_2, window_bounds = array<i64: 1, 256>}, {pipeline_mode = #tpu.pipeline_mode<synchronous>, transform_indices = @transform_3, window_bounds = array<i64: 6, 256>}, {pipeline_mode = #tpu.pipeline_mode<synchronous>, transform_indices = @transform_4, window_bounds = array<i64: 1, 6>}, {pipeline_mode = #tpu.pipeline_mode<synchronous>, transform_indices = @transform_5, window_bounds = array<i64: 512, 6>}]} {
    %get3A = arith.constant 0 : index
    %get3A_0 = arith.constant 0 : index
    %get3A_1 = arith.constant 0 : index
    %get3A_2 = vector.load %arg1[%get3A, %get3A_0, %get3A_1] : memref<512x8x128xf32, #tpu.memory_space<vmem>>, vector<512x8x128xf32>
    %reshape3A = vector.shape_cast %get3A_2 : vector<512x8x128xf32> to vector<512x1024xf32>
    %convert_element_type3A = arith.truncf %reshape3A : vector<512x1024xf32> to vector<512x1024xbf16>
    %get3A_3 = arith.constant 0 : index
    %get3A_4 = arith.constant 0 : index
    %get3A_5 = vector.load %arg2[%get3A_3, %get3A_4] : memref<256x1024xbf16, #tpu.memory_space<vmem>>, vector<256x1024xbf16>
    %dot_general3A = arith.constant dense<0.000000e+00> : vector<512x256xf32>
    %dot_general3A_6 = tpu.matmul %convert_element_type3A, %get3A_5, %dot_general3A {dimension_numbers = #tpu.dot_dimension_numbers<[1], [1], [0], [0], [0, 0, 1, 0], [], []>, transpose_lhs_hint = false} : vector<512x1024xbf16>, vector<256x1024xbf16>, vector<512x256xf32> -> vector<512x256xf32>
    %eq3A = arith.constant 0 : i32
    %eq3A_7 = arith.cmpi eq, %arg0, %eq3A : i32
    %convert_element_type3A_8 = arith.extui %eq3A_7 : i1 to i32
    %cond3A = arith.constant 0 : i32
    %cond3A_9 = arith.cmpi ne, %convert_element_type3A_8, %cond3A : i32
    scf.if %cond3A_9 {
      %swap3A = arith.constant 0 : index
      %swap3A_19 = arith.constant 0 : index
      %swap3A_20 = vector.load %arg7[%swap3A, %swap3A_19] : memref<512x256xf32, #tpu.memory_space<vmem>>, vector<512x256xf32>
      tpu.vector_store %arg7[%swap3A, %swap3A_19], %dot_general3A_6 {strides = array<i32>} : memref<512x256xf32, #tpu.memory_space<vmem>>, vector<512x256xf32>,
    } else {
    }
    %gt3A = arith.constant 0 : i32
    %gt3A_10 = arith.cmpi sgt, %arg0, %gt3A : i32
    %convert_element_type3A_11 = arith.extui %gt3A_10 : i1 to i32
    %cond3A_12 = arith.constant 0 : i32
    %cond3A_13 = arith.cmpi ne, %convert_element_type3A_11, %cond3A_12 : i32
    scf.if %cond3A_13 {
      %get3A_19 = arith.constant 0 : index
      %get3A_20 = arith.constant 0 : index
      %get3A_21 = vector.load %arg7[%get3A_19, %get3A_20] : memref<512x256xf32, #tpu.memory_space<vmem>>, vector<512x256xf32>
      %add3A = arith.addf %get3A_21, %dot_general3A_6 : vector<512x256xf32>
      %swap3A = arith.constant 0 : index
      %swap3A_22 = arith.constant 0 : index
      %swap3A_23 = vector.load %arg7[%swap3A, %swap3A_22] : memref<512x256xf32, #tpu.memory_space<vmem>>, vector<512x256xf32>
      tpu.vector_store %arg7[%swap3A, %swap3A_22], %add3A {strides = array<i32>} : memref<512x256xf32, #tpu.memory_space<vmem>>, vector<512x256xf32>,
    } else {
    }
    %eq3A_14 = arith.constant 31 : i32
    %eq3A_15 = arith.cmpi eq, %arg0, %eq3A_14 : i32
    %convert_element_type3A_16 = arith.extui %eq3A_15 : i1 to i32
    %cond3A_17 = arith.constant 0 : i32
    %cond3A_18 = arith.cmpi ne, %convert_element_type3A_16, %cond3A_17 : i32
    scf.if %cond3A_18 {
      %get3A_19 = arith.constant 0 : index
      %get3A_20 = arith.constant 0 : index
      %get3A_21 = vector.load %arg7[%get3A_19, %get3A_20] : memref<512x256xf32, #tpu.memory_space<vmem>>, vector<512x256xf32>
      %get3A_22 = arith.constant 0 : index
      %get3A_23 = arith.constant 0 : index
      %get3A_24 = vector.load %arg3[%get3A_22, %get3A_23] : memref<1x256xf32, #tpu.memory_space<vmem>>, vector<1x256xf32>
      %add3A = vector.broadcast %get3A_24 : vector<1x256xf32> to vector<512x256xf32>
      %add3A_25 = arith.addf %get3A_21, %add3A : vector<512x256xf32>
      %max3A = arith.constant 0.000000e+00 : f32
      %max3A_26 = vector.broadcast %max3A : f32 to vector<512x256xf32>
      %max3A_27 = arith.maximumf %add3A_25, %max3A_26 : vector<512x256xf32>
      %get3A_28 = arith.constant 0 : index
      %get3A_29 = arith.constant 0 : index
      %get3A_30 = vector.load %arg4[%get3A_28, %get3A_29] : memref<6x256xf32, #tpu.memory_space<vmem>>, vector<6x256xf32>
      %dot_general3A_31 = arith.constant dense<0.000000e+00> : vector<512x6xf32>
      %dot_general3A_32 = tpu.matmul %max3A_27, %get3A_30, %dot_general3A_31 {dimension_numbers = #tpu.dot_dimension_numbers<[1], [1], [0], [0], [0, 0, 1, 0], [], []>, transpose_lhs_hint = false} : vector<512x256xf32>, vector<6x256xf32>, vector<512x6xf32> -> vector<512x6xf32>
      %get3A_33 = arith.constant 0 : index
      %get3A_34 = arith.constant 0 : index
      %get3A_35 = vector.load %arg5[%get3A_33, %get3A_34] : memref<1x6xf32, #tpu.memory_space<vmem>>, vector<1x6xf32>
      %add3A_36 = vector.broadcast %get3A_35 : vector<1x6xf32> to vector<512x6xf32>
      %add3A_37 = arith.addf %dot_general3A_32, %add3A_36 : vector<512x6xf32>
      %reduce_max3A = arith.constant dense<0xFF800000> : vector<512xf32>
      %reduce_max3A_38 = vector.multi_reduction <maximumf>, %add3A_37, %reduce_max3A [1] : vector<512x6xf32> to vector<512xf32>
      %broadcast_in_dim3A = vector.shape_cast %reduce_max3A_38 : vector<512xf32> to vector<512x1xf32>
      %sub3A = vector.broadcast %broadcast_in_dim3A : vector<512x1xf32> to vector<512x6xf32>
      %sub3A_39 = arith.subf %add3A_37, %sub3A : vector<512x6xf32>
      %exp3A = math.exp %sub3A_39 : vector<512x6xf32>
      %reduce_sum3A = arith.constant dense<0.000000e+00> : vector<512xf32>
      %reduce_sum3A_40 = vector.multi_reduction <add>, %exp3A, %reduce_sum3A [1] : vector<512x6xf32> to vector<512xf32>
      %broadcast_in_dim3A_41 = vector.shape_cast %reduce_sum3A_40 : vector<512xf32> to vector<512x1xf32>
      %log3A = math.log %broadcast_in_dim3A_41 : vector<512x1xf32>
      %sub3A_42 = vector.broadcast %log3A : vector<512x1xf32> to vector<512x6xf32>
      %sub3A_43 = arith.subf %sub3A_39, %sub3A_42 : vector<512x6xf32>
      %swap3A = arith.constant 0 : index
      %swap3A_44 = arith.constant 0 : index
      %swap3A_45 = vector.load %arg6[%swap3A, %swap3A_44] : memref<512x6xf32, #tpu.memory_space<vmem>>, vector<512x6xf32>
      tpu.vector_store %arg6[%swap3A, %swap3A_44], %sub3A_43 {strides = array<i32>} : memref<512x6xf32, #tpu.memory_space<vmem>>, vector<512x6xf32>,
    } else {
    }
    return
  }
  func.func @transform_0(%arg0: i32) -> (i32, i32, i32) {
    %c0_i32 = arith.constant 0 : i32
    %c0_i32_0 = arith.constant 0 : i32
    %c0_i32_1 = arith.constant 0 : i32
    return %c0_i32, %arg0, %c0_i32_0 : i32, i32, i32
  }
  func.func @transform_1(%arg0: i32) -> (i32, i32) {
    %c0_i32 = arith.constant 0 : i32
    %c0_i32_0 = arith.constant 0 : i32
    return %c0_i32, %arg0 : i32, i32
  }
  func.func @transform_2(%arg0: i32) -> (i32, i32) {
    %c0_i32 = arith.constant 0 : i32
    %c0_i32_0 = arith.constant 0 : i32
    %c0_i32_1 = arith.constant 0 : i32
    return %c0_i32, %c0_i32_0 : i32, i32
  }
  func.func @transform_3(%arg0: i32) -> (i32, i32) {
    %c0_i32 = arith.constant 0 : i32
    %c0_i32_0 = arith.constant 0 : i32
    %c0_i32_1 = arith.constant 0 : i32
    return %c0_i32, %c0_i32_0 : i32, i32
  }
  func.func @transform_4(%arg0: i32) -> (i32, i32) {
    %c0_i32 = arith.constant 0 : i32
    %c0_i32_0 = arith.constant 0 : i32
    %c0_i32_1 = arith.constant 0 : i32
    return %c0_i32, %c0_i32_0 : i32, i32
  }
  func.func @transform_5(%arg0: i32) -> (i32, i32) {
    %c0_i32 = arith.constant 0 : i32
    %c0_i32_0 = arith.constant 0 : i32
    %c0_i32_1 = arith.constant 0 : i32
    return %c0_i32, %c0_i32_0 : i32, i32
  }
}

</mosaic_0001>

<sc_bundles>
// kernel: kernel.10.cloned.1.call-start
scs
__scs_entry_jumppad:
0x0: {  	(pc) =	sbr.rel $0x88, $3  }
0x1: {  	(tag) =	ssettag $0x0;
	lr =	simm.s32 $0x1  }
0x2: {  	[smem:$0x3F9B] =	sst lr;
	_ =	strace $0xD0000000  }
0x3: {  	_ = 	snop  }
0x4: {  	_ = 	snop  }
0x5: {  	_ = 	snop  }
0x6: {  	_ = 	snop  }
0x7: {  	_ = 	snop  }
__scs_overlays_trampoline_lowered:
0x8: {  	[smem:$0x3FAA] =	sst s0  }
0x9: {  	[smem:$0x3FAB] =	sst s1  }
0xa: {  	[smem:$0x3FAC] =	sst s2  }
0xb: {  	[smem:$0x3FAD] =	sst s3  }
0xc: {  	[smem:$0x3FAE] =	sst s4  }
0xd: {  	[smem:$0x3FAF] =	sst s5  }
0xe: {  	[smem:$0x3FB0] =	sst s6  }
0xf: {  	[smem:$0x3FB1] =	sst s7  }
0x10: {  	[smem:$0x3FB2] =	sst s8  }
0x11: {  	[smem:$0x3FB3] =	sst s9;
	s0 =	simm.s32 @!p0 $0x0  }
0x12: {  	s1 =	sld [smem:$0x3F99];
	s0 =	simm.s32 @p0 $0x1  }
0x13: {  	[smem:$0x3FB4] =	sst s0;
	s0 =	simm.s32 @!p1 $0x0  }
0x14: {  	s2 =	sld [smem:$0x3F98];
	s0 =	simm.s32 @p1 $0x1  }
0x15: {  	[smem:$0x3FB5] =	sst s0;
	s0 =	simm.s32 @!p2 $0x0  }
0x16: {  	s3 =	sld [smem:$0x3FDB];
	s0 =	simm.s32 @p2 $0x1  }
0x17: {  	s4 =	simm.s32 $0x1BF5;
	[smem:$0x3FB7] =	sst s0  }
0x18: {  	s0 =	sld [smem:$0x3F9A];
	_ =	swait.ge [sflag:s4], $0x0  }
0x19: {  	s7 =	sld [smem:$0x3F9B]  }
0x1a: {  	s8 =	sadd.s32 $0xFFFFE003, lr  }
0x1b: {  	s9 =	sadd.s32 $0xFFFFFEF7, lr;
	s5 =	simm.s32 $0xFFFFFFFF;
	p2 =	slt.u32 s8, $0xFFFFF086  }
0x1c: {  	p1 =	slt.u32 s9, $0xF7A;
	s5 =	simm.s32 @!p2 $0x0  }
0x1d: {  	s5 =	simm.s32 @p1 $0x1;
	p0 =	seq.s32 s7, s2  }
0x1e: {  	s7 =	smul.u32 @!p0 $0xF7A, s2;
	p2 =	seq.s32 @!p0 s5, $0x0  }
0x1f: {  	s9 =	smul.u32 $0xF7A, s1;
	s8 =	simm.s32 @!p0 $0x1BF5;
	p2 =	por !p2, p0  }
0x20: {  	[sflag:s8] =	ssyncset.s32 @!p0 $0xFFFFF086;
	s6 =	sadd.s32 @!p0 s3, s7;
	s7 =	simm.s32 @!p0 $0x108  }
0x21: {  	s3 =	sadd.s32 s3, s9;
	s6 =	sadd.s32 @!p0 $0x88, s6;
	s7 =	simm.s32 @p2 $0x1082  }
0x22: {  	[simem:s7], [sflag:s8] =	dma.local @!p0 [hbm:s6], $0xF7A  }
0x23: {  	s9 =	sor.u32 $0xD0000000, s2;
	s6 =	simm.s32 $0x108;
	_ =	swait.ge @!p0 [sflag:s8], $0x0  }
0x24: {  	s3 =	sadd.s32 $0x88, s3;
	s6 =	simm.s32 @!p1 $0x1082;
	[sflag:s4] =	ssyncset.s32 $0xFFFFF086  }
0x25: {  	[simem:s6], [sflag:s4] =	dma.local [hbm:s3], $0xF7A  }
0x26: {  	[smem:$0x3F9B] =	sst s1;
	(tag) =	ssettag s2;
	_ =	strace s9  }
0x27: {  	s1 =	sld [smem:$0x3FAB]  }
0x28: {  	s2 =	sld [smem:$0x3FAC]  }
0x29: {  	s4 =	sld [smem:$0x3FAE]  }
0x2a: {  	p0 =	seq.s32 s5, $0x0;
	s5 =	sld [smem:$0x3FAF]  }
0x2b: {  	s6 =	sld [smem:$0x3FB0]  }
0x2c: {  	s7 =	sld [smem:$0x3FB1]  }
0x2d: {  	s3 =	simm.s32 $0x108;
	s8 =	sld [smem:$0x3FB2]  }
0x2e: {  	s3 =	simm.s32 @!p0 $0x1082;
	s9 =	sld [smem:$0x3FB3]  }
0x2f: {  	lr =	sadd.s32 s0, s3;
	s0 =	sld [smem:$0x3FAA]  }
0x30: {  	s3 =	sld [smem:$0x3FAD]  }
0x31: {  	[smem:$0x3FB6] =	sst s10  }
0x32: {  	s10 =	sld [smem:$0x3FB4];
	_ =	sdelay $0x3  }
0x33: {  	p0 =	seq.s32 s10, $0x1;
	s10 =	sld [smem:$0x3FB6];
	_ =	sdelay $0x3  }
0x34: {  	[smem:$0x3FB6] =	sst s10  }
0x35: {  	s10 =	sld [smem:$0x3FB5];
	_ =	sdelay $0x3  }
0x36: {  	p1 =	seq.s32 s10, $0x1;
	s10 =	sld [smem:$0x3FB6];
	_ =	sdelay $0x3  }
0x37: {  	[smem:$0x3FB6] =	sst s10  }
0x38: {  	s10 =	sld [smem:$0x3FB7]  }
0x39: {  	_ = 	snop;
	(pc) =	sbr.ind lr, $3  }
0x3a: {  	_ = 	snop  }
0x3b: {  	_ = 	snop  }
0x3c: {  	p2 =	seq.s32 s10, $0x1;
	s10 =	sld [smem:$0x3FB6]  }
0x3d: {  	_ =	shalt  }
0x3e: {  	_ =	shalt  }
0x3f: {  	_ =	shalt  }
0x40: {  	_ =	shalt  }
0x41: {  	_ =	shalt  }
0x42: {  	_ =	shalt  }
0x43: {  	_ =	shalt  }
0x44: {  	_ =	shalt  }
0x45: {  	_ =	shalt  }
0x46: {  	_ =	shalt  }
0x47: {  	_ =	shalt  }
0x48: {  	_ =	shalt  }
0x49: {  	_ =	shalt  }
0x4a: {  	_ =	shalt  }
0x4b: {  	_ =	shalt  }
0x4c: {  	_ =	shalt  }
0x4d: {  	_ =	shalt  }
0x4e: {  	_ =	shalt  }
0x4f: {  	_ =	shalt  }
0x50: {  	_ =	shalt  }
0x51: {  	_ =	shalt  }
0x52: {  	_ =	shalt  }
0x53: {  	_ =	shalt  }
0x54: {  	_ =	shalt  }
0x55: {  	_ =	shalt  }
0x56: {  	_ =	shalt  }
0x57: {  	_ =	shalt  }
0x58: {  	_ =	shalt  }
0x59: {  	_ =	shalt  }
0x5a: {  	_ =	shalt  }
0x5b: {  	_ =	shalt  }
0x5c: {  	_ =	shalt  }
0x5d: {  	_ =	shalt  }
0x5e: {  	_ =	shalt  }
0x5f: {  	_ =	shalt  }
0x60: {  	_ =	shalt  }
0x61: {  	_ =	shalt  }
0x62: {  	_ =	shalt  }
0x63: {  	_ =	shalt  }
0x64: {  	_ =	shalt  }
0x65: {  	_ =	shalt  }
0x66: {  	_ =	shalt  }
0x67: {  	_ =	shalt  }
0x68: {  	_ =	shalt  }
0x69: {  	_ =	shalt  }
0x6a: {  	_ =	shalt  }
0x6b: {  	_ =	shalt  }
0x6c: {  	_ =	shalt  }
0x6d: {  	_ =	shalt  }
0x6e: {  	_ =	shalt  }
0x6f: {  	_ =	shalt  }
0x70: {  	_ =	shalt  }
0x71: {  	_ =	shalt  }
0x72: {  	_ =	shalt  }
0x73: {  	_ =	shalt  }
0x74: {  	_ =	shalt  }
0x75: {  	_ =	shalt  }
0x76: {  	_ =	shalt  }
0x77: {  	_ =	shalt  }
0x78: {  	_ =	shalt  }
0x79: {  	_ =	shalt  }
0x7a: {  	_ =	shalt  }
0x7b: {  	_ =	shalt  }
0x7c: {  	_ =	shalt  }
0x7d: {  	_ =	shalt  }
0x7e: {  	_ =	shalt  }
0x7f: {  	_ =	shalt  }
0x80: {  	_ =	shalt  }
0x81: {  	_ =	shalt  }
0x82: {  	_ =	shalt  }
0x83: {  	_ =	shalt  }
0x84: {  	_ =	shalt  }
0x85: {  	_ =	shalt  }
0x86: {  	_ =	shalt  }
0x87: {  	_ =	shalt  }
.Lfunc_end0:
.L_simem_size_0:
called_computation.1_lowered:
.L_overlay_start_0:
0x88: {  	s2 =	sld [smem:$0x3FD9]  }
0x89: {  	s3 =	sld [smem:$0x3FFE];
	_ =	sdelay $0x1  }
0x8a: {  	s1 =	srdreg.scid  }
0x8b: {  	s0 =	sand.u32 $0x1, s1  }
0x8c: {  	s17 =	sshll.u32 s0, $0xA;
	s2 =	sadd.s32 s3, s2  }
0x8d: {  	s2 =	sadd.s32 s2, s17  }
0x8e: {  	[smem:$0x3FC2] =	sst s2  }
0x8f: {  	_ = 	snop  }
0x90: {  	(tm) =	ssettm $0x1  }
0x91: {  	s18 =	sld [smem:$0x3FFB];
	_ =	sdelay $0x3  }
0x92: {  	_ =	strace s18  }
0x93: {  	s2 =	sld [smem:$0x3FFC];
	_ =	sdelay $0x3  }
0x94: {  	_ =	strace s2  }
0x95: {  	s2 =	sld [smem:$0x3FFD];
	_ =	sdelay $0x3  }
0x96: {  	_ =	strace s2  }
0x97: {  	_ =	strace $0x8FFFFFFF  }
0x98: {  	s19 =	sld [smem:$0x3FDB];
	_ =	sdelay $0x1  }
0x99: {  	s20 =	simm.s32 $_scs_section_size  }
0x9a: {  	s4 =	simm.s32 $_size__tile_overlayer_lowered;
	s5 =	simm.s32 $_tile_overlayer_lowered  }
0x9b: {  	s6 =	simm.s32 $0x1BFF;
	s21 =	sshll.u32 s5, $0x1;
	s3 =	sadd.s32 s20, s19  }
0x9c: {  	s22 =	simm.s32 $0x0;
	s4 =	sshll.u32 s4, $0x1;
	s5 =	sadd.s32 s21, s3  }
0x9d: {  	[timem:s22], [sflag:s6] =	dma.local [hbm:s5], s4  }
0x9e: {  	_ =	swait.ge [sflag:s6], s4  }
0x9f: {  	s4 =	ssub.s32 $0x0, s4;
	[sflag:s6] =	ssyncset.done $0x0  }
0xa0: {  	[sflag:s6] =	ssyncadd.s32 s4;
	_ =	sdelay $0x1  }
0xa1: {  	s23 =	simm.s32 $0x1B8B  }
0xa2: {  	_ =	swait.ge [sflag:s23], $0x1  }
0xa3: {  	[sflag:s23] =	ssyncset.done $0x0  }
0xa4: {  	[sflag:s23] =	ssyncadd.s32 $0xFFFFFFFF  }
0xa5: {  	s4 =	sld [smem:$0x0]  }
0xa6: {  	s5 =	sand.u32 $0xFFFFFFFE, s1  }
0xa7: {  	p0 =	sne.s32 s1, s5  }
0xa8: {  	s5 =	sshll.u32 @p0 s5, $0xE  }
0xa9: {  	s5 =	sadd.s32 @p0 $0x11B8D, s5;
	s6 =	sshll.u32 @p0 s4, $0x11  }
0xaa: {  	s5 =	sor.u32 @p0 s6, s5  }
0xab: {  	[sflag:s5] =	ssyncadd.remote.s32 @p0 $0x1;
	_ =	sdelay $0x1  }
0xac: {  	s5 =	simm.s32 @p0 $0x1B8D  }
0xad: {  	_ =	swait.eq @p0 [sflag:s5], $0x1  }
0xae: {  	[sflag:s5] =	ssyncadd.s32 @p0 $0xFFFFFFFF  }
0xaf: {  	s6 =	sshll.u32 @!p0 s1, $0xE  }
0xb0: {  	s6 =	sor.u32 @!p0 $0x4000, s6;
	s5 =	simm.s32 @!p0 $0x1B8D  }
0xb1: {  	s4 =	sshll.u32 @!p0 s4, $0x11;
	s6 =	sadd.s32 @!p0 $0x11B8D, s6;
	_ =	swait.eq @!p0 [sflag:s5], $0x1  }
0xb2: {  	s4 =	sor.u32 @!p0 s4, s6;
	[sflag:s5] =	ssyncadd.s32 @!p0 $0xFFFFFFFF  }
0xb3: {  	s25 =	simm.s32 $0x1B8E;
	s24 =	sld [smem:$0x3FFE];
	[sflag:s4] =	ssyncadd.remote.s32 @!p0 $0x1  }
0xb4: {  	s26 =	simm.s32 $execute0_lowered;
	[smem:$0x3FD2] =	sst s25  }
0xb5: {  	s5 =	sshll.u32 s26, $0x1;
	_ =	strace $0x80000049;
	[dreg:$0x1] =	wrdreg $0xFFFFFFFF  }
0xb6: {  	s28 =	simm.s32 $_size_execute0_lowered;
	s3 =	sadd.s32 s3, s5;
	[dreg:$0x0] =	wrdreg $0x0  }
0xb7: {  	s5 =	sshll.u32 s28, $0x1;
	[dreg:$0x2] =	wrdreg s3  }
0xb8: {  	[dreg:$0x3] =	wrdreg s5  }
0xb9: {  	[dreg:$0x4] =	wrdreg $0xC0  }
0xba: {  	_ =	task [dreg:s22], $0x5FFFF  }
0xbb: {  	[dreg:$0x1] =	wrdreg $0xFFFFFFFF  }
0xbc: {  	[dreg:$0x0] =	wrdreg $0x60  }
0xbd: {  	[dreg:$0x2] =	wrdreg s24  }
0xbe: {  	[dreg:$0x3] =	wrdreg $0xA  }
0xbf: {  	_ =	task.clear_ibuf [dreg:s22], $0x4FFFF;
	_ =	strace $0x90000049  }
0xc0: {  	s29 =	simm.s32 $0xA;
	_ =	strace $0x8000004B  }
0xc1: {  	_ =	swait.ge [sflag:s29], $0x1  }
0xc2: {  	[sflag:s29] =	ssyncadd.s32 $0xFFFFFFFF  }
0xc3: {  	_ =	strace $0x9000004B  }
0xc4: {  	_ =	sfence  }
0xc5: {  	s30 =	sld [smem:$0x0];
	_ =	sdelay $0x2  }
0xc6: {  	s31 =	sshll.u32 s1, $0xD;
	s1 =	sshrl.u32 s1, $0x2  }
0xc7: {  	s4 =	sand.u32 $0x4000, s31;
	s1 =	sadd.s32 s1, s30  }
0xc8: {  	s0 =	sor.u32 s4, s0;
	s1 =	sshll.u32 s1, $0x11  }
0xc9: {  	s0 =	sor.u32 s1, s0  }
0xca: {  	s0 =	sadd.s32 $0x8F2B, s0  }
0xcb: {  	[sflag:s0] =	ssyncadd.remote.s32 $0x1  }
0xcc: {  	_ =	sfence.sel $0xFFFF  }
0xcd: {  	[dreg:$0x0] =	wrdreg $0xFFFFFFFF;
	(pc) =	sbr.abs _section_cstart, $3  }
0xce: {  	[dreg:$0x1] =	wrdreg $0xFFFFFFFF  }
0xcf: {  	_ =	task.clear_ibuf [dreg:s22], $0x2FFFF;
	_ =	strace $0x9FFFFFFF  }
0xd0: {  	(tm) =	ssettm $0x7FFFFFFF  }
0xd1: {  	_ =	shalt  }
tec
execute0_lowered:
.L_overlay_start_1:
0x0: {  	(tag) =	ssettag $0x1  }
0x1: {  	s1 =	srdreg.scid;
	s0 =	stileid.u32  }
0x2: {  	s4 =	rddreg [dreg:$0x0];
	s2 =	simm.s32 $0x0;
	s11 =	simm.s32 $0x2  }
0x3: {  	s12 =	simm.s32 $0x5000;
	s5 =	sand.u32 $0x1, s1;
	s1 =	rddreg [dreg:$0x1]  }
0x4: {  	s13 =	simm.s32 $0x0;
	s3 =	sshll.u32 s0, $0x1;
	[smem:$0x7FF] =	sst s2  }
0x5: {  	s10 =	sadd.s32 $0x221800, s4;
	s30 =	sshll.u32 s0, $0x11;
	s6 =	sor.u32 s5, s3  }
0x6: {  	s7 =	ssub.s32 $0x2, s5;
	_ =	strace $0x8000004A;
	s31 =	sshll.u32 s5, $0x10  }
0x7: {  	s3 =	sshll.u32 s6, $0xB;
	s9 =	sshrl.u32 s7, $0x1;
	s6 =	sshll.u32 s6, $0x10  }
0x8: {  	s8 =	sadd.s32 s3, s4;
	s3 =	sadd.s32 $0xF43C00, s4;
	s7 =	ssub.s32 s7, s9  }
0x9: {  	s6 =	sadd.s32 s10, s6;
	s9 =	simm.s32 $0x4000;
	s4 =	sadd.s32 $0x1800, s8  }
0xa: {  	s8 =	sadd.s32 s30, s10;
	s5 =	smax.u32 s7, $0x1;
	s6 =	sadd.s32 $0xFE00, s6  }
0xb: {  	s10 =	simm.s32 $0x80;
	s7 =	sadd.s32 s31, s8;
	s8 =	simm.s32 $0x3  }
.LBB2_1:
0xc: {  	[tilespmem:s2], [sflag:$0x3] =	stream.linear.gather [hbm4b:s4+s2], $0x4000, $0x38;
	[tilespmem:$0x6000] =	vst v63  }
0xd: {  	s14 =	simm.s32 $0x1;
	_ =	swait.ge [sflag:s8], $0x4000  }
0xe: {  	s15 =	simm.s32 $0x0;
	s14 =	sand.u32 $0x1, s14;
	[sflag:s8] =	ssyncset.done $0x0  }
0xf: {  	s15 =	sand.u32 $0x1, s15;
	s16 =	sshll.u32 s14, $0xC;
	[sflag:s8] =	ssyncadd.s32 $0xFFFFC000  }
0x10: {  	[tilespmem:s9], [sflag:$0x1] =	stream.indirect.gather [hbm4b:s3+s10], $0x20, s2, s10, $0xb8;
	[tilespmem:$0x6000] =	vst v63  }
0x11: {  	s14 =	sadd.s32 $0x1, s14;
	s17 =	sadd.s32 $0x1, s15;
	s16 =	sor.u32 $0x4000, s16  }
0x12: {  	[tilespmem:s16], [sflag:s14] =	stream.indirect.gather [hbm4b:s3+s10], $0x20, s10, s10, $0xb8;
	[tilespmem:$0x6000] =	vst v63  }
0x13: {  	s31 =	sshll.u32 s15, $0xC;
	_ =	swait.ge [sflag:s17], $0x1000  }
0x14: {  	s15 =	simm.s32 $0x100;
	s16 =	simm.s32 $0x2;
	[sflag:s17] =	ssyncset.done $0x0  }
0x15: {  	s14 =	sor.u32 $0x4000, s31;
	s18 =	sand.u32 $0x1, s16;
	[sflag:s17] =	ssyncadd.s32 $0xFFFFF000  }
0x16: {  	[hbm4b:s7+s2] =	stream.linear.scatter [tilespmem:s14], [sflag:$0x3], $0x1000, $0x38;
	[tilespmem:$0x6000] =	vst v63  }
0x17: {  	s17 =	simm.s32 $0x3;
	s14 =	sadd.s32 $0x200, s7;
	_ =	swait.ge [sflag:s8], $0x1000  }
.LBB2_2:
0x18: {  	s19 =	sadd.s32 $0xFFFFFFFF, s16;
	s20 =	sshll.u32 s18, $0xC  }
0x19: {  	[sflag:s8] =	ssyncset.done $0x0;
	s16 =	smov.u32 s17;
	s18 =	sadd.s32 $0x1, s18  }
0x1a: {  	p0 =	sne.s32 s17, $0x7F;
	s19 =	sand.u32 $0x1, s19;
	s20 =	sor.u32 $0x4000, s20  }
0x1b: {  	s21 =	sadd.s32 $0x1, s19;
	s19 =	sshll.u32 s19, $0xC;
	[sflag:s8] =	ssyncadd.s32 $0xFFFFF000  }
0x1c: {  	[tilespmem:s20], [sflag:s18] =	stream.indirect.gather [hbm4b:s3+s10], $0x20, s15, s10, $0xb8;
	[tilespmem:$0x6000] =	vst v63  }
.Ltmp0:
0x1d: {  	s20 =	sadd.s32 $0x1, s17;
	_ =	swait.ge [sflag:s21], $0x1000;
	(pc) =	sbr.rel @p0 .LBB2_2-.Ltmp0, $4  }
0x1e: {  	s17 =	sor.u32 $0x4000, s19;
	[sflag:s21] =	ssyncset.done $0x0  }
0x1f: {  	s15 =	sadd.s32 $0x80, s15;
	s18 =	sand.u32 $0x1, s16;
	[sflag:s21] =	ssyncadd.s32 $0xFFFFF000  }
0x20: {  	[hbm4b:s14+s2] =	stream.linear.scatter [tilespmem:s17], [sflag:$0x3], $0x1000, $0x38;
	[tilespmem:$0x6000] =	vst v63  }
0x21: {  	s14 =	sadd.s32 $0x200, s14;
	s17 =	smov.u32 s20;
	_ =	swait.ge [sflag:s8], $0x1000  }
0x22: {  	s16 =	sadd.s32 $0xFFFFFFFF, s16;
	s17 =	sshll.u32 s18, $0xC  }
0x23: {  	[sflag:s8] =	ssyncset.done $0x0;
	s30 =	sadd.s32 $0x1, s18;
	s16 =	sand.u32 $0x1, s16  }
0x24: {  	s17 =	sor.u32 $0x4000, s17;
	[sflag:s8] =	ssyncadd.s32 $0xFFFFF000;
	s19 =	sadd.s32 $0x1, s16  }
0x25: {  	[tilespmem:s17], [sflag:s30] =	stream.indirect.gather [hbm4b:s3+s10], $0x20, s15, s10, $0xb8;
	[tilespmem:$0x6000] =	vst v63  }
0x26: {  	_ =	swait.ge [sflag:s19], $0x1000  }
0x27: {  	s31 =	sshll.u32 s16, $0xC;
	[sflag:s19] =	ssyncset.done $0x0  }
0x28: {  	s15 =	sor.u32 $0x4000, s31;
	[sflag:s19] =	ssyncadd.s32 $0xFFFFF000  }
0x29: {  	[hbm4b:s14+s2] =	stream.linear.scatter [tilespmem:s15], [sflag:$0x3], $0x1000, $0x38;
	[tilespmem:$0x6000] =	vst v63  }
0x2a: {  	_ =	swait.ge [sflag:s8], $0x1000  }
0x2b: {  	[sflag:s8] =	ssyncset.done $0x0  }
0x2c: {  	[sflag:s8] =	ssyncadd.s32 $0xFFFFF000  }
0x2d: {  	s13 =	sadd.s32 $0x1, s13;
	_ =	swait.ge [sflag:s11], $0x1000  }
0x2e: {  	p0 =	sne.s32 s13, s5;
	[sflag:s11] =	ssyncset.done $0x0  }
.Ltmp1:
0x2f: {  	[sflag:s11] =	ssyncadd.s32 $0xFFFFF000;
	(pc) =	sbr.rel @p0 .LBB2_1-.Ltmp1, $4  }
0x30: {  	[hbm4b:s6+s2] =	stream.linear.scatter [tilespmem:s12], [sflag:$0x3], $0x1000, $0x38;
	[tilespmem:$0x6000] =	vst v63  }
0x31: {  	_ =	swait.ge [sflag:s8], $0x1000  }
0x32: {  	[sflag:s8] =	ssyncset.done $0x0  }
0x33: {  	[sflag:s8] =	ssyncadd.s32 $0xFFFFF000  }
0x34: {  	_ =	sfence.sel $0x180000  }
0x35: {  	[bflag:$0x0] =	sbarrier.arrive $0xFFFF  }
0x36: {  	p0 =	sne.s32 s0, $0x0;
	_ =	strace $0x9000004A  }
0x37: {  	s0 =	sadd.s32 @!p0 $0x100000, s1;
	[bflag:$0x2] =	sbarrier.arrive $0xFFFF  }
0x38: {  	[sflag:s0] =	ssyncadd.tile.s32 @!p0 $0x1;
	_ =	shalt  }
.Lfunc_end2:
_tile_overlayer_lowered:
.L_overlay_start_2:
0x39: {  	(tag) =	ssettag $0x2  }
0x3a: {  	s0 =	rddreg [dreg:$0x0];
	s2 =	stileid.u32  }
0x3b: {  	s1 =	rddreg [dreg:$0x1];
	p0 =	sne.s32 s2, $0x0  }
0x3c: {  	s3 =	rddreg [dreg:$0x2];
	[bflag:$0x3] =	sbarrier.arrive $0xFFFF;
	s2 =	simm.s32 @!p0 $0x1C03  }
0x3d: {  	[timem:s3], [sflag:s2] =	dma.local @!p0 [hbm:s0], s1  }
0x3e: {  	s0 =	simm.s32 @!p0 $0x3  }
0x3f: {  	_ =	swait.ge @!p0 [sflag:s0], s1  }
0x40: {  	s1 =	ssub.s32 @!p0 $0x0, s1;
	[sflag:s0] =	ssyncset.done @!p0 $0x0  }
0x41: {  	[sflag:s0] =	ssyncadd.s32 @!p0 s1  }
0x42: {  	[bflag:$0x3] =	sbarrier.arrive $0xFFFF  }
0x43: {  	_ =	shalt  }

// kernel: kernel.7.cloned.1.call-start
scs
__scs_entry_jumppad:
0x0: {  	(pc) =	sbr.rel $0x88, $3  }
0x1: {  	(tag) =	ssettag $0x0;
	lr =	simm.s32 $0x1  }
0x2: {  	[smem:$0x3F9B] =	sst lr;
	_ =	strace $0xD0000000  }
0x3: {  	_ = 	snop  }
0x4: {  	_ = 	snop  }
0x5: {  	_ = 	snop  }
0x6: {  	_ = 	snop  }
0x7: {  	_ = 	snop  }
__scs_overlays_trampoline_lowered:
0x8: {  	[smem:$0x3FAA] =	sst s0  }
0x9: {  	[smem:$0x3FAB] =	sst s1  }
0xa: {  	[smem:$0x3FAC] =	sst s2  }
0xb: {  	[smem:$0x3FAD] =	sst s3  }
0xc: {  	[smem:$0x3FAE] =	sst s4  }
0xd: {  	[smem:$0x3FAF] =	sst s5  }
0xe: {  	[smem:$0x3FB0] =	sst s6  }
0xf: {  	[smem:$0x3FB1] =	sst s7  }
0x10: {  	[smem:$0x3FB2] =	sst s8  }
0x11: {  	[smem:$0x3FB3] =	sst s9;
	s0 =	simm.s32 @!p0 $0x0  }
0x12: {  	s1 =	sld [smem:$0x3F99];
	s0 =	simm.s32 @p0 $0x1  }
0x13: {  	[smem:$0x3FB4] =	sst s0;
	s0 =	simm.s32 @!p1 $0x0  }
0x14: {  	s2 =	sld [smem:$0x3F98];
	s0 =	simm.s32 @p1 $0x1  }
0x15: {  	[smem:$0x3FB5] =	sst s0;
	s0 =	simm.s32 @!p2 $0x0  }
0x16: {  	s3 =	sld [smem:$0x3FDB];
	s0 =	simm.s32 @p2 $0x1  }
0x17: {  	s4 =	simm.s32 $0x1BF5;
	[smem:$0x3FB7] =	sst s0  }
0x18: {  	s0 =	sld [smem:$0x3F9A];
	_ =	swait.ge [sflag:s4], $0x0  }
0x19: {  	s7 =	sld [smem:$0x3F9B]  }
0x1a: {  	s8 =	sadd.s32 $0xFFFFE003, lr  }
0x1b: {  	s9 =	sadd.s32 $0xFFFFFEF7, lr;
	s5 =	simm.s32 $0xFFFFFFFF;
	p2 =	slt.u32 s8, $0xFFFFF086  }
0x1c: {  	p1 =	slt.u32 s9, $0xF7A;
	s5 =	simm.s32 @!p2 $0x0  }
0x1d: {  	s5 =	simm.s32 @p1 $0x1;
	p0 =	seq.s32 s7, s2  }
0x1e: {  	s7 =	smul.u32 @!p0 $0xF7A, s2;
	p2 =	seq.s32 @!p0 s5, $0x0  }
0x1f: {  	s9 =	smul.u32 $0xF7A, s1;
	s8 =	simm.s32 @!p0 $0x1BF5;
	p2 =	por !p2, p0  }
0x20: {  	[sflag:s8] =	ssyncset.s32 @!p0 $0xFFFFF086;
	s6 =	sadd.s32 @!p0 s3, s7;
	s7 =	simm.s32 @!p0 $0x108  }
0x21: {  	s3 =	sadd.s32 s3, s9;
	s6 =	sadd.s32 @!p0 $0x88, s6;
	s7 =	simm.s32 @p2 $0x1082  }
0x22: {  	[simem:s7], [sflag:s8] =	dma.local @!p0 [hbm:s6], $0xF7A  }
0x23: {  	s9 =	sor.u32 $0xD0000000, s2;
	s6 =	simm.s32 $0x108;
	_ =	swait.ge @!p0 [sflag:s8], $0x0  }
0x24: {  	s3 =	sadd.s32 $0x88, s3;
	s6 =	simm.s32 @!p1 $0x1082;
	[sflag:s4] =	ssyncset.s32 $0xFFFFF086  }
0x25: {  	[simem:s6], [sflag:s4] =	dma.local [hbm:s3], $0xF7A  }
0x26: {  	[smem:$0x3F9B] =	sst s1;
	(tag) =	ssettag s2;
	_ =	strace s9  }
0x27: {  	s1 =	sld [smem:$0x3FAB]  }
0x28: {  	s2 =	sld [smem:$0x3FAC]  }
0x29: {  	s4 =	sld [smem:$0x3FAE]  }
0x2a: {  	p0 =	seq.s32 s5, $0x0;
	s5 =	sld [smem:$0x3FAF]  }
0x2b: {  	s6 =	sld [smem:$0x3FB0]  }
0x2c: {  	s7 =	sld [smem:$0x3FB1]  }
0x2d: {  	s3 =	simm.s32 $0x108;
	s8 =	sld [smem:$0x3FB2]  }
0x2e: {  	s3 =	simm.s32 @!p0 $0x1082;
	s9 =	sld [smem:$0x3FB3]  }
0x2f: {  	lr =	sadd.s32 s0, s3;
	s0 =	sld [smem:$0x3FAA]  }
0x30: {  	s3 =	sld [smem:$0x3FAD]  }
0x31: {  	[smem:$0x3FB6] =	sst s10  }
0x32: {  	s10 =	sld [smem:$0x3FB4];
	_ =	sdelay $0x3  }
0x33: {  	p0 =	seq.s32 s10, $0x1;
	s10 =	sld [smem:$0x3FB6];
	_ =	sdelay $0x3  }
0x34: {  	[smem:$0x3FB6] =	sst s10  }
0x35: {  	s10 =	sld [smem:$0x3FB5];
	_ =	sdelay $0x3  }
0x36: {  	p1 =	seq.s32 s10, $0x1;
	s10 =	sld [smem:$0x3FB6];
	_ =	sdelay $0x3  }
0x37: {  	[smem:$0x3FB6] =	sst s10  }
0x38: {  	s10 =	sld [smem:$0x3FB7]  }
0x39: {  	_ = 	snop;
	(pc) =	sbr.ind lr, $3  }
0x3a: {  	_ = 	snop  }
0x3b: {  	_ = 	snop  }
0x3c: {  	p2 =	seq.s32 s10, $0x1;
	s10 =	sld [smem:$0x3FB6]  }
0x3d: {  	_ =	shalt  }
0x3e: {  	_ =	shalt  }
0x3f: {  	_ =	shalt  }
0x40: {  	_ =	shalt  }
0x41: {  	_ =	shalt  }
0x42: {  	_ =	shalt  }
0x43: {  	_ =	shalt  }
0x44: {  	_ =	shalt  }
0x45: {  	_ =	shalt  }
0x46: {  	_ =	shalt  }
0x47: {  	_ =	shalt  }
0x48: {  	_ =	shalt  }
0x49: {  	_ =	shalt  }
0x4a: {  	_ =	shalt  }
0x4b: {  	_ =	shalt  }
0x4c: {  	_ =	shalt  }
0x4d: {  	_ =	shalt  }
0x4e: {  	_ =	shalt  }
0x4f: {  	_ =	shalt  }
0x50: {  	_ =	shalt  }
0x51: {  	_ =	shalt  }
0x52: {  	_ =	shalt  }
0x53: {  	_ =	shalt  }
0x54: {  	_ =	shalt  }
0x55: {  	_ =	shalt  }
0x56: {  	_ =	shalt  }
0x57: {  	_ =	shalt  }
0x58: {  	_ =	shalt  }
0x59: {  	_ =	shalt  }
0x5a: {  	_ =	shalt  }
0x5b: {  	_ =	shalt  }
0x5c: {  	_ =	shalt  }
0x5d: {  	_ =	shalt  }
0x5e: {  	_ =	shalt  }
0x5f: {  	_ =	shalt  }
0x60: {  	_ =	shalt  }
0x61: {  	_ =	shalt  }
0x62: {  	_ =	shalt  }
0x63: {  	_ =	shalt  }
0x64: {  	_ =	shalt  }
0x65: {  	_ =	shalt  }
0x66: {  	_ =	shalt  }
0x67: {  	_ =	shalt  }
0x68: {  	_ =	shalt  }
0x69: {  	_ =	shalt  }
0x6a: {  	_ =	shalt  }
0x6b: {  	_ =	shalt  }
0x6c: {  	_ =	shalt  }
0x6d: {  	_ =	shalt  }
0x6e: {  	_ =	shalt  }
0x6f: {  	_ =	shalt  }
0x70: {  	_ =	shalt  }
0x71: {  	_ =	shalt  }
0x72: {  	_ =	shalt  }
0x73: {  	_ =	shalt  }
0x74: {  	_ =	shalt  }
0x75: {  	_ =	shalt  }
0x76: {  	_ =	shalt  }
0x77: {  	_ =	shalt  }
0x78: {  	_ =	shalt  }
0x79: {  	_ =	shalt  }
0x7a: {  	_ =	shalt  }
0x7b: {  	_ =	shalt  }
0x7c: {  	_ =	shalt  }
0x7d: {  	_ =	shalt  }
0x7e: {  	_ =	shalt  }
0x7f: {  	_ =	shalt  }
0x80: {  	_ =	shalt  }
0x81: {  	_ =	shalt  }
0x82: {  	_ =	shalt  }
0x83: {  	_ =	shalt  }
0x84: {  	_ =	shalt  }
0x85: {  	_ =	shalt  }
0x86: {  	_ =	shalt  }
0x87: {  	_ =	shalt  }
.Lfunc_end0:
.L_simem_size_0:
called_computation_lowered:
.L_overlay_start_0:
0x88: {  	s2 =	sld [smem:$0x3FD9]  }
0x89: {  	s3 =	sld [smem:$0x3FFE];
	_ =	sdelay $0x1  }
0x8a: {  	s1 =	srdreg.scid  }
0x8b: {  	s0 =	sand.u32 $0x1, s1  }
0x8c: {  	s16 =	sshll.u32 s0, $0xA;
	s2 =	sadd.s32 s3, s2  }
0x8d: {  	s2 =	sadd.s32 s2, s16  }
0x8e: {  	[smem:$0x3FC2] =	sst s2  }
0x8f: {  	_ = 	snop  }
0x90: {  	(tm) =	ssettm $0x1  }
0x91: {  	s17 =	sld [smem:$0x3FFB];
	_ =	sdelay $0x3  }
0x92: {  	_ =	strace s17  }
0x93: {  	s2 =	sld [smem:$0x3FFC];
	_ =	sdelay $0x3  }
0x94: {  	_ =	strace s2  }
0x95: {  	s2 =	sld [smem:$0x3FFD];
	_ =	sdelay $0x3  }
0x96: {  	_ =	strace s2  }
0x97: {  	_ =	strace $0x8FFFFFFF  }
0x98: {  	s18 =	sld [smem:$0x3FDB];
	_ =	sdelay $0x1  }
0x99: {  	s19 =	simm.s32 $_scs_section_size  }
0x9a: {  	s4 =	simm.s32 $_size__tile_overlayer_lowered;
	s5 =	simm.s32 $_tile_overlayer_lowered  }
0x9b: {  	s22 =	simm.s32 $0x1BFF;
	s21 =	sshll.u32 s5, $0x1;
	s2 =	sadd.s32 s19, s18  }
0x9c: {  	s6 =	simm.s32 $0x0;
	s20 =	sshll.u32 s4, $0x1;
	s4 =	sadd.s32 s21, s2  }
0x9d: {  	[timem:s6], [sflag:s22] =	dma.local [hbm:s4], s20  }
0x9e: {  	_ =	swait.ge [sflag:s22], s20  }
0x9f: {  	s3 =	ssub.s32 $0x0, s20;
	[sflag:s22] =	ssyncset.done $0x0  }
0xa0: {  	[sflag:s22] =	ssyncadd.s32 s3;
	_ =	sdelay $0x1  }
0xa1: {  	s23 =	simm.s32 $0x1B8B  }
0xa2: {  	_ =	swait.ge [sflag:s23], $0x1  }
0xa3: {  	[sflag:s23] =	ssyncset.done $0x0  }
0xa4: {  	s25 =	simm.s32 $0x1B8E;
	s24 =	sld [smem:$0x3FFE];
	[sflag:s23] =	ssyncadd.s32 $0xFFFFFFFF  }
0xa5: {  	s26 =	simm.s32 $execute0_lowered;
	[smem:$0x3FD2] =	sst s25  }
0xa6: {  	s4 =	sshll.u32 s26, $0x1;
	_ =	strace $0x80000046;
	[dreg:$0x1] =	wrdreg $0xFFFFFFFF  }
0xa7: {  	s28 =	simm.s32 $_size_execute0_lowered;
	s2 =	sadd.s32 s2, s4;
	[dreg:$0x0] =	wrdreg $0x0  }
0xa8: {  	s4 =	sshll.u32 s28, $0x1;
	[dreg:$0x2] =	wrdreg s2  }
0xa9: {  	[dreg:$0x3] =	wrdreg s4  }
0xaa: {  	[dreg:$0x4] =	wrdreg $0xC0  }
0xab: {  	_ =	task [dreg:s6], $0x5FFFF  }
0xac: {  	[dreg:$0x1] =	wrdreg $0xFFFFFFFF  }
0xad: {  	[dreg:$0x0] =	wrdreg $0x60  }
0xae: {  	[dreg:$0x2] =	wrdreg s24  }
0xaf: {  	[dreg:$0x3] =	wrdreg $0x9  }
0xb0: {  	_ =	task.clear_ibuf [dreg:s6], $0x4FFFF;
	_ =	strace $0x90000046  }
0xb1: {  	s29 =	simm.s32 $0x9;
	_ =	strace $0x80000048  }
0xb2: {  	_ =	swait.ge [sflag:s29], $0x1  }
0xb3: {  	[sflag:s29] =	ssyncadd.s32 $0xFFFFFFFF  }
0xb4: {  	_ =	strace $0x90000048  }
0xb5: {  	_ =	sfence  }
0xb6: {  	s30 =	sld [smem:$0x0];
	_ =	sdelay $0x2  }
0xb7: {  	s31 =	sshll.u32 s1, $0xD;
	s1 =	sshrl.u32 s1, $0x2  }
0xb8: {  	s3 =	sand.u32 $0x4000, s31;
	s1 =	sadd.s32 s1, s30  }
0xb9: {  	s0 =	sor.u32 s3, s0;
	s1 =	sshll.u32 s1, $0x11  }
0xba: {  	s0 =	sor.u32 s1, s0  }
0xbb: {  	s0 =	sadd.s32 $0x8F2B, s0  }
0xbc: {  	[sflag:s0] =	ssyncadd.remote.s32 $0x1  }
0xbd: {  	_ =	sfence.sel $0xFFFF  }
0xbe: {  	[dreg:$0x0] =	wrdreg $0xFFFFFFFF;
	(pc) =	sbr.abs _section_cstart, $3  }
0xbf: {  	[dreg:$0x1] =	wrdreg $0xFFFFFFFF  }
0xc0: {  	_ =	task.clear_ibuf [dreg:s6], $0x2FFFF;
	_ =	strace $0x9FFFFFFF  }
0xc1: {  	(tm) =	ssettm $0x7FFFFFFF  }
tec
execute0_lowered:
.L_overlay_start_1:
0x0: {  	(tag) =	ssettag $0x1  }
0x1: {  	s1 =	srdreg.scid;
	s0 =	stileid.u32  }
0x2: {  	s4 =	rddreg [dreg:$0x0];
	s2 =	simm.s32 $0x0;
	s11 =	simm.s32 $0x2  }
0x3: {  	s12 =	simm.s32 $0x5000;
	s5 =	sand.u32 $0x1, s1;
	s1 =	rddreg [dreg:$0x1]  }
0x4: {  	s13 =	simm.s32 $0x0;
	s3 =	sshll.u32 s0, $0x1;
	[smem:$0x7FF] =	sst s2  }
0x5: {  	s10 =	sadd.s32 $0x21800, s4;
	s30 =	sshll.u32 s0, $0x11;
	s6 =	sor.u32 s5, s3  }
0x6: {  	s7 =	ssub.s32 $0x2, s5;
	_ =	strace $0x80000047;
	s31 =	sshll.u32 s5, $0x10  }
0x7: {  	s3 =	sshll.u32 s6, $0xB;
	s9 =	sshrl.u32 s7, $0x1;
	s6 =	sshll.u32 s6, $0x10  }
0x8: {  	s8 =	sadd.s32 s3, s4;
	s3 =	sadd.s32 $0xF43C00, s4;
	s7 =	ssub.s32 s7, s9  }
0x9: {  	s6 =	sadd.s32 s10, s6;
	s9 =	simm.s32 $0x4000;
	s4 =	sadd.s32 $0x11800, s8  }
0xa: {  	s8 =	sadd.s32 s30, s10;
	s5 =	smax.u32 s7, $0x1;
	s6 =	sadd.s32 $0xFE00, s6  }
0xb: {  	s10 =	simm.s32 $0x80;
	s7 =	sadd.s32 s31, s8;
	s8 =	simm.s32 $0x3  }
.LBB2_1:
0xc: {  	[tilespmem:s2], [sflag:$0x3] =	stream.linear.gather [hbm4b:s4+s2], $0x4000, $0x38;
	[tilespmem:$0x6000] =	vst v63  }
0xd: {  	s14 =	simm.s32 $0x1;
	_ =	swait.ge [sflag:s8], $0x4000  }
0xe: {  	s15 =	simm.s32 $0x0;
	s14 =	sand.u32 $0x1, s14;
	[sflag:s8] =	ssyncset.done $0x0  }
0xf: {  	s15 =	sand.u32 $0x1, s15;
	s16 =	sshll.u32 s14, $0xC;
	[sflag:s8] =	ssyncadd.s32 $0xFFFFC000  }
0x10: {  	[tilespmem:s9], [sflag:$0x1] =	stream.indirect.gather [hbm4b:s3+s10], $0x20, s2, s10, $0xb8;
	[tilespmem:$0x6000] =	vst v63  }
0x11: {  	s14 =	sadd.s32 $0x1, s14;
	s17 =	sadd.s32 $0x1, s15;
	s16 =	sor.u32 $0x4000, s16  }
0x12: {  	[tilespmem:s16], [sflag:s14] =	stream.indirect.gather [hbm4b:s3+s10], $0x20, s10, s10, $0xb8;
	[tilespmem:$0x6000] =	vst v63  }
0x13: {  	s31 =	sshll.u32 s15, $0xC;
	_ =	swait.ge [sflag:s17], $0x1000  }
0x14: {  	s15 =	simm.s32 $0x100;
	s16 =	simm.s32 $0x2;
	[sflag:s17] =	ssyncset.done $0x0  }
0x15: {  	s14 =	sor.u32 $0x4000, s31;
	s18 =	sand.u32 $0x1, s16;
	[sflag:s17] =	ssyncadd.s32 $0xFFFFF000  }
0x16: {  	[hbm4b:s7+s2] =	stream.linear.scatter [tilespmem:s14], [sflag:$0x3], $0x1000, $0x38;
	[tilespmem:$0x6000] =	vst v63  }
0x17: {  	s17 =	simm.s32 $0x3;
	s14 =	sadd.s32 $0x200, s7;
	_ =	swait.ge [sflag:s8], $0x1000  }
.LBB2_2:
0x18: {  	s19 =	sadd.s32 $0xFFFFFFFF, s16;
	s20 =	sshll.u32 s18, $0xC  }
0x19: {  	[sflag:s8] =	ssyncset.done $0x0;
	s16 =	smov.u32 s17;
	s18 =	sadd.s32 $0x1, s18  }
0x1a: {  	p0 =	sne.s32 s17, $0x7F;
	s19 =	sand.u32 $0x1, s19;
	s20 =	sor.u32 $0x4000, s20  }
0x1b: {  	s21 =	sadd.s32 $0x1, s19;
	s19 =	sshll.u32 s19, $0xC;
	[sflag:s8] =	ssyncadd.s32 $0xFFFFF000  }
0x1c: {  	[tilespmem:s20], [sflag:s18] =	stream.indirect.gather [hbm4b:s3+s10], $0x20, s15, s10, $0xb8;
	[tilespmem:$0x6000] =	vst v63  }
.Ltmp0:
0x1d: {  	s20 =	sadd.s32 $0x1, s17;
	_ =	swait.ge [sflag:s21], $0x1000;
	(pc) =	sbr.rel @p0 .LBB2_2-.Ltmp0, $4  }
0x1e: {  	s17 =	sor.u32 $0x4000, s19;
	[sflag:s21] =	ssyncset.done $0x0  }
0x1f: {  	s15 =	sadd.s32 $0x80, s15;
	s18 =	sand.u32 $0x1, s16;
	[sflag:s21] =	ssyncadd.s32 $0xFFFFF000  }
0x20: {  	[hbm4b:s14+s2] =	stream.linear.scatter [tilespmem:s17], [sflag:$0x3], $0x1000, $0x38;
	[tilespmem:$0x6000] =	vst v63  }
0x21: {  	s14 =	sadd.s32 $0x200, s14;
	s17 =	smov.u32 s20;
	_ =	swait.ge [sflag:s8], $0x1000  }
0x22: {  	s16 =	sadd.s32 $0xFFFFFFFF, s16;
	s17 =	sshll.u32 s18, $0xC  }
0x23: {  	[sflag:s8] =	ssyncset.done $0x0;
	s30 =	sadd.s32 $0x1, s18;
	s16 =	sand.u32 $0x1, s16  }
0x24: {  	s17 =	sor.u32 $0x4000, s17;
	[sflag:s8] =	ssyncadd.s32 $0xFFFFF000;
	s19 =	sadd.s32 $0x1, s16  }
0x25: {  	[tilespmem:s17], [sflag:s30] =	stream.indirect.gather [hbm4b:s3+s10], $0x20, s15, s10, $0xb8;
	[tilespmem:$0x6000] =	vst v63  }
0x26: {  	_ =	swait.ge [sflag:s19], $0x1000  }
0x27: {  	s31 =	sshll.u32 s16, $0xC;
	[sflag:s19] =	ssyncset.done $0x0  }
0x28: {  	s15 =	sor.u32 $0x4000, s31;
	[sflag:s19] =	ssyncadd.s32 $0xFFFFF000  }
0x29: {  	[hbm4b:s14+s2] =	stream.linear.scatter [tilespmem:s15], [sflag:$0x3], $0x1000, $0x38;
	[tilespmem:$0x6000] =	vst v63  }
0x2a: {  	_ =	swait.ge [sflag:s8], $0x1000  }
0x2b: {  	[sflag:s8] =	ssyncset.done $0x0  }
0x2c: {  	[sflag:s8] =	ssyncadd.s32 $0xFFFFF000  }
0x2d: {  	s13 =	sadd.s32 $0x1, s13;
	_ =	swait.ge [sflag:s11], $0x1000  }
0x2e: {  	p0 =	sne.s32 s13, s5;
	[sflag:s11] =	ssyncset.done $0x0  }
.Ltmp1:
0x2f: {  	[sflag:s11] =	ssyncadd.s32 $0xFFFFF000;
	(pc) =	sbr.rel @p0 .LBB2_1-.Ltmp1, $4  }
0x30: {  	[hbm4b:s6+s2] =	stream.linear.scatter [tilespmem:s12], [sflag:$0x3], $0x1000, $0x38;
	[tilespmem:$0x6000] =	vst v63  }
0x31: {  	_ =	swait.ge [sflag:s8], $0x1000  }
0x32: {  	[sflag:s8] =	ssyncset.done $0x0  }
0x33: {  	[sflag:s8] =	ssyncadd.s32 $0xFFFFF000  }
0x34: {  	_ =	sfence.sel $0x180000  }
0x35: {  	[bflag:$0x0] =	sbarrier.arrive $0xFFFF  }
0x36: {  	p0 =	sne.s32 s0, $0x0;
	_ =	strace $0x90000047  }
0x37: {  	s0 =	sadd.s32 @!p0 $0x100000, s1;
	[bflag:$0x2] =	sbarrier.arrive $0xFFFF  }
0x38: {  	[sflag:s0] =	ssyncadd.tile.s32 @!p0 $0x1;
	_ =	shalt  }
.Lfunc_end2:
_tile_overlayer_lowered:
.L_overlay_start_2:
0x39: {  	(tag) =	ssettag $0x2  }
0x3a: {  	s0 =	rddreg [dreg:$0x0];
	s2 =	stileid.u32  }
0x3b: {  	s1 =	rddreg [dreg:$0x1];
	p0 =	sne.s32 s2, $0x0  }
0x3c: {  	s3 =	rddreg [dreg:$0x2];
	[bflag:$0x3] =	sbarrier.arrive $0xFFFF;
	s2 =	simm.s32 @!p0 $0x1C03  }
0x3d: {  	[timem:s3], [sflag:s2] =	dma.local @!p0 [hbm:s0], s1  }
0x3e: {  	s0 =	simm.s32 @!p0 $0x3  }
0x3f: {  	_ =	swait.ge @!p0 [sflag:s0], s1  }
0x40: {  	s1 =	ssub.s32 @!p0 $0x0, s1;
	[sflag:s0] =	ssyncset.done @!p0 $0x0  }
0x41: {  	[sflag:s0] =	ssyncadd.s32 @!p0 s1  }
0x42: {  	[bflag:$0x3] =	sbarrier.arrive $0xFFFF  }
0x43: {  	_ =	shalt  }

</sc_bundles>
